<compile_context>
chip_gen: v7x
topology: tpu7x:2x2x1
jax: 0.10.2.dev20260603
libtpu: 0.0.44.dev20260713+nightly
codegen_flags: <defaults>
</compile_context>

<pallas_src>
import functools

import jax
import jax.numpy as jnp
from jax import lax
from jax.experimental import pallas as pl
from jax.experimental.pallas import tpu as pltpu
from jax.experimental.pallas import tpu_sc as plsc

_NUM_CODES = 512
_LATENT = 64
_E = 2304
_NB = 4
_EB = _E // _NB
_LANES = 16
_GROUPS = _E // _LANES
_TROW = 528


def _build_tables(W):
    C, K = W.shape
    iota = jnp.broadcast_to(jnp.arange(K, dtype=jnp.int32), (C, K))
    ws, order = lax.sort((W, iota), dimension=1, num_keys=1, is_stable=True)
    is_new = jnp.concatenate(
        [jnp.ones((C, 1), bool), ws[:, 1:] != ws[:, :-1]], axis=1)
    tagged = jnp.where(is_new, (iota << 9) | order, 0)
    fidx = lax.cummax(tagged, axis=1) & (2 ** 9 - 1)
    expw, expnw = jnp.exp(ws), jnp.exp(-ws)
    kio = jnp.arange(K, dtype=jnp.int32)
    jio = jnp.arange(_TROW, dtype=jnp.int32)
    t_pre = (kio[:, None] < jio[None, :]).astype(jnp.float32)
    t_suf = (kio[:, None] >= jio[None, :]).astype(jnp.float32)
    e_pre = jnp.stack([expw, expw * ws], axis=1)
    e_suf = jnp.stack([expnw, expnw * ws], axis=1)
    hi = jax.lax.Precision.HIGHEST
    pre = jnp.einsum("cik,kj->cij", e_pre, t_pre, precision=hi)
    suf = jnp.einsum("cik,kj->cij", e_suf, t_suf, precision=hi)

    z1 = jnp.zeros((C, 1), jnp.float32)
    inf = jnp.full((C, 1), jnp.inf, jnp.float32)
    zi = jnp.zeros((C, 1), jnp.int32)
    pad = jnp.zeros((C, _TROW - (K + 1)), jnp.float32)
    rows = [
        jnp.concatenate([-inf, ws, pad], axis=1),
        jnp.concatenate([ws, inf, pad], axis=1),
        pre[:, 0],
        pre[:, 1],
        suf[:, 0],
        suf[:, 1],
        jax.lax.bitcast_convert_type(
            jnp.concatenate([zi, fidx, pad.astype(jnp.int32)], axis=1),
            jnp.float32),
        jax.lax.bitcast_convert_type(
            jnp.concatenate([fidx, zi, pad.astype(jnp.int32)], axis=1),
            jnp.float32),
    ]
    return jnp.concatenate(rows, axis=1)


def _make_sc_call(C):
    mesh = plsc.VectorSubcoreMesh(core_axis_name="c", subcore_axis_name="s")
    n_workers = 32
    chans_per_worker = C // n_workers

    @functools.partial(
        pl.kernel,
        mesh=mesh,
        out_type=[
            jax.ShapeDtypeStruct((C, _E), jnp.float32),
            jax.ShapeDtypeStruct((C, _E), jnp.float32),
            jax.ShapeDtypeStruct((C, _E), jnp.int32),
        ],
        scratch_types=(
            [pltpu.VMEM((_E,), jnp.float32)] * 2
            + [pltpu.VMEM((8 * _TROW,), jnp.float32)] * 2
            + [pltpu.VMEM((_E,), jnp.float32)] * 4
            + [pltpu.VMEM((_E,), jnp.int32)] * 2
            + [pltpu.SemaphoreType.DMA] * 3
        ),
        compiler_params=pltpu.CompilerParams(needs_layout_passes=False),
    )
    def sc_quantize(x_hbm, t_hbm, soft_hbm, hard_hbm, idx_hbm,
                    x0, x1, t0, t1, s0, s1, h0, h1, i0, i1,
                    sin0, sin1, sout):
        wid = lax.axis_index("s") * 2 + lax.axis_index("c")
        c0 = wid * chans_per_worker

        bufs = [(x0, t0, s0, h0, i0), (x1, t1, s1, h1, i1)]
        sins = [sin0, sin1]
        dins = []
        for t in range(chans_per_worker):
            dins.append((
                pltpu.async_copy(x_hbm.at[c0 + t], bufs[t][0], sins[t]),
                pltpu.async_copy(t_hbm.at[c0 + t], bufs[t][1], sins[t]),
            ))

        douts = []
        for t in range(chans_per_worker):
            for d in dins[t]:
                d.wait()
            xv, tv, sv, hv, iv = bufs[t]

            @plsc.parallel_loop(0, _GROUPS, unroll=16)
            def group(i):
                base = i * _LANES
                vv = xv[pl.ds(base, _LANES)]
                j = jnp.zeros((_LANES,), jnp.int32)
                for step in (256, 128, 64, 32, 16, 8, 4, 2, 1):
                    probe = plsc.load_gather(tv, [j + (_TROW + step - 1)])
                    j = jnp.where(probe < vv, j + step, j)
                probe = plsc.load_gather(tv, [j + _TROW])
                j = jnp.where(probe < vv, j + 1, j)

                wl = plsc.load_gather(tv, [j])
                wr = plsc.load_gather(tv, [j + _TROW])
                a = plsc.load_gather(tv, [j + 2 * _TROW])
                aw = plsc.load_gather(tv, [j + 3 * _TROW])
                b = plsc.load_gather(tv, [j + 4 * _TROW])
                bw = plsc.load_gather(tv, [j + 5 * _TROW])
                fl = plsc.bitcast(
                    plsc.load_gather(tv, [j + 6 * _TROW]), jnp.int32)
                fr = plsc.bitcast(
                    plsc.load_gather(tv, [j + 7 * _TROW]), jnp.int32)

                u = jnp.exp(2.0 * vv)
                soft = (aw + u * bw) / (a + u * b)
                dl = vv - wl
                dr = wr - vv
                pick_l = (dl < dr) | ((dl == dr) & (fl < fr))
                sv[pl.ds(base, _LANES)] = soft
                hv[pl.ds(base, _LANES)] = jnp.where(pick_l, wl, wr)
                iv[pl.ds(base, _LANES)] = jnp.where(pick_l, fl, fr)

            c = c0 + t
            douts.append(pltpu.async_copy(sv, soft_hbm.at[c], sout))
            douts.append(pltpu.async_copy(hv, hard_hbm.at[c], sout))
            douts.append(pltpu.async_copy(iv, idx_hbm.at[c], sout))

        for d in douts:
            d.wait()

    return sc_quantize


def kernel(z, W):
    B, C, H, Wd = z.shape
    X = jnp.transpose(z, (1, 0, 2, 3)).reshape(C, _E)
    T = _build_tables(W)
    soft, hard, idx = _make_sc_call(C)(X, T)

    def back(a):
        return jnp.transpose(a.reshape(C, B, H, Wd), (1, 2, 3, 0))

    return (back(soft), back(hard), back(idx))

# --- scband reference (transcript-rebuilt; emitter-appended) ---
"""Pipeline reference for scband-soft-to-hard-encoder-65609920414449 (READ-ONLY COPY).

The authoritative reference and input builder live on the scoring server;
editing this copy changes nothing except your own understanding.
"""

import jax, jax.numpy as jnp
import numpy as np

NUM_CODES = 512
LATENT_DIM = 64

def setup_inputs(seed: int = 0) -> dict:
    key = jax.random.key(seed)
    k1, k2 = jax.random.split(key)
    z = jax.random.normal(k1, (4, LATENT_DIM, 24, 24), dtype=jnp.float32)
    # nn.Embedding(latent_dim, num_codes).weight -> [latent_dim, num_codes], init ~ N(0,1)
    W = jax.random.normal(k2, (LATENT_DIM, NUM_CODES), dtype=jnp.float32)
    return {"z": z, "W": W}

def reference(z, W):
    # h = z.permute(0, 2, 3, 1)
    h = jnp.transpose(z, (0, 2, 3, 1))  # [B, H, Wd, C]
    Wb = W[None, None, None]  # [1, 1, 1, latent_dim, num_codes]
    # expanded = h.unsqueeze(-1).expand(... num_codes)
    expanded = h[..., None]  # broadcasts against Wb
    distances = jnp.abs(expanded - Wb)  # [B, H, Wd, C, K]
    # Softmin(dim=4) == softmax(-distances, axis=4)
    symbol_probs = jax.nn.softmax(-distances, axis=4)
    soft_symbols = jnp.sum(symbol_probs * Wb, axis=4)  # [B, H, Wd, C]
    idxes = jnp.argmin(distances, axis=4)  # [B, H, Wd, C]
    offsets = jnp.arange(0, LATENT_DIM * NUM_CODES, NUM_CODES, dtype=idxes.dtype)
    # W.take(idxes + offsets): flat gather into the codebook
    hard_symbols = jnp.take(W.reshape(-1), idxes + offsets)
    return (soft_symbols, hard_symbols, idxes)

if __name__ == "__main__":
    import jax
    _d = setup_inputs()
    print(jax.jit(kernel)(*tuple(_d.values())))

</pallas_src>

<mosaic_0001>
#map = affine_map<(d0, d1) -> (0, 0)>
module attributes {stable_mosaic.version = 14 : i64} {
  func.func @sc_quantize(%arg0: i32, %arg1: i32, %arg2: memref<64x2304xf32, #tpu.memory_space<hbm>>, %arg3: memref<64x4224xf32, #tpu.memory_space<hbm>>, %arg4: memref<64x2304xf32, #tpu.memory_space<hbm>>, %arg5: memref<64x2304xf32, #tpu.memory_space<hbm>>, %arg6: memref<64x2304xi32, #tpu.memory_space<hbm>>, %arg7: memref<2304xf32, #tpu.memory_space<vmem>>, %arg8: memref<2304xf32, #tpu.memory_space<vmem>>, %arg9: memref<4224xf32, #tpu.memory_space<vmem>>, %arg10: memref<4224xf32, #tpu.memory_space<vmem>>, %arg11: memref<2304xf32, #tpu.memory_space<vmem>>, %arg12: memref<2304xf32, #tpu.memory_space<vmem>>, %arg13: memref<2304xf32, #tpu.memory_space<vmem>>, %arg14: memref<2304xf32, #tpu.memory_space<vmem>>, %arg15: memref<2304xi32, #tpu.memory_space<vmem>>, %arg16: memref<2304xi32, #tpu.memory_space<vmem>>, %arg17: memref<!tpu.dma_semaphore, #tpu.memory_space<semaphore_mem>>, %arg18: memref<!tpu.dma_semaphore, #tpu.memory_space<semaphore_mem>>, %arg19: memref<!tpu.dma_semaphore, #tpu.memory_space<semaphore_mem>>) attributes {dimension_semantics = [#tpu.dimension_semantics<core_parallel>, #tpu.dimension_semantics<subcore_parallel>], iteration_bounds = array<i64: 2, 16>, scalar_prefetch = 0 : i64, scratch_operands = 13 : i64, tpu.core_type = #tpu.core_type<sc_vector_subcore>, window_params = [{transform_indices = #map}, {transform_indices = #map}, {transform_indices = #map}, {transform_indices = #map}, {transform_indices = #map}]} {
    %mul3A = arith.constant 2 : i32
    %mul3A_0 = arith.muli %arg1, %mul3A : i32
    %add3A = arith.addi %mul3A_0, %arg0 : i32
    %mul3A_1 = arith.constant 2 : i32
    %mul3A_2 = arith.muli %add3A, %mul3A_1 : i32
    %add3A_3 = arith.constant 0 : i32
    %add3A_4 = arith.addi %mul3A_2, %add3A_3 : i32
    %dma_start3A = arith.constant 0 : i32
    %dma_start3A_5 = tpu.memref_slice %arg2[%add3A_4, %dma_start3A] : memref<64x2304xf32, #tpu.memory_space<hbm>> -> memref<1x2304xf32, #tpu.memory_space<hbm>>
    %dma_start3A_6 = tpu.memref_squeeze %dma_start3A_5 : memref<1x2304xf32, #tpu.memory_space<hbm>> -> memref<2304xf32, #tpu.memory_space<hbm>>
    %dma_start3A_7 = arith.constant 0 : i32
    %dma_start3A_8 = tpu.memref_slice %arg2[%add3A_4, %dma_start3A_7] : memref<64x2304xf32, #tpu.memory_space<hbm>> -> memref<1x2304xf32, #tpu.memory_space<hbm>>
    %dma_start3A_9 = tpu.memref_squeeze %dma_start3A_8 : memref<1x2304xf32, #tpu.memory_space<hbm>> -> memref<2304xf32, #tpu.memory_space<hbm>>
    tpu.enqueue_dma source(%dma_start3A_9 : memref<2304xf32, #tpu.memory_space<hbm>>) target(%arg7 : memref<2304xf32, #tpu.memory_space<vmem>>) target_semaphore(%arg17 : memref<!tpu.dma_semaphore, #tpu.memory_space<semaphore_mem>>)
    %add3A_10 = arith.constant 0 : i32
    %add3A_11 = arith.addi %mul3A_2, %add3A_10 : i32
    %dma_start3A_12 = arith.constant 0 : i32
    %dma_start3A_13 = tpu.memref_slice %arg3[%add3A_11, %dma_start3A_12] : memref<64x4224xf32, #tpu.memory_space<hbm>> -> memref<1x4224xf32, #tpu.memory_space<hbm>>
    %dma_start3A_14 = tpu.memref_squeeze %dma_start3A_13 : memref<1x4224xf32, #tpu.memory_space<hbm>> -> memref<4224xf32, #tpu.memory_space<hbm>>
    %dma_start3A_15 = arith.constant 0 : i32
    %dma_start3A_16 = tpu.memref_slice %arg3[%add3A_11, %dma_start3A_15] : memref<64x4224xf32, #tpu.memory_space<hbm>> -> memref<1x4224xf32, #tpu.memory_space<hbm>>
    %dma_start3A_17 = tpu.memref_squeeze %dma_start3A_16 : memref<1x4224xf32, #tpu.memory_space<hbm>> -> memref<4224xf32, #tpu.memory_space<hbm>>
    tpu.enqueue_dma source(%dma_start3A_17 : memref<4224xf32, #tpu.memory_space<hbm>>) target(%arg9 : memref<4224xf32, #tpu.memory_space<vmem>>) target_semaphore(%arg17 : memref<!tpu.dma_semaphore, #tpu.memory_space<semaphore_mem>>)
    %add3A_18 = arith.constant 1 : i32
    %add3A_19 = arith.addi %mul3A_2, %add3A_18 : i32
    %dma_start3A_20 = arith.constant 0 : i32
    %dma_start3A_21 = tpu.memref_slice %arg2[%add3A_19, %dma_start3A_20] : memref<64x2304xf32, #tpu.memory_space<hbm>> -> memref<1x2304xf32, #tpu.memory_space<hbm>>
    %dma_start3A_22 = tpu.memref_squeeze %dma_start3A_21 : memref<1x2304xf32, #tpu.memory_space<hbm>> -> memref<2304xf32, #tpu.memory_space<hbm>>
    %dma_start3A_23 = arith.constant 0 : i32
    %dma_start3A_24 = tpu.memref_slice %arg2[%add3A_19, %dma_start3A_23] : memref<64x2304xf32, #tpu.memory_space<hbm>> -> memref<1x2304xf32, #tpu.memory_space<hbm>>
    %dma_start3A_25 = tpu.memref_squeeze %dma_start3A_24 : memref<1x2304xf32, #tpu.memory_space<hbm>> -> memref<2304xf32, #tpu.memory_space<hbm>>
    tpu.enqueue_dma source(%dma_start3A_25 : memref<2304xf32, #tpu.memory_space<hbm>>) target(%arg8 : memref<2304xf32, #tpu.memory_space<vmem>>) target_semaphore(%arg18 : memref<!tpu.dma_semaphore, #tpu.memory_space<semaphore_mem>>)
    %add3A_26 = arith.constant 1 : i32
    %add3A_27 = arith.addi %mul3A_2, %add3A_26 : i32
    %dma_start3A_28 = arith.constant 0 : i32
    %dma_start3A_29 = tpu.memref_slice %arg3[%add3A_27, %dma_start3A_28] : memref<64x4224xf32, #tpu.memory_space<hbm>> -> memref<1x4224xf32, #tpu.memory_space<hbm>>
    %dma_start3A_30 = tpu.memref_squeeze %dma_start3A_29 : memref<1x4224xf32, #tpu.memory_space<hbm>> -> memref<4224xf32, #tpu.memory_space<hbm>>
    %dma_start3A_31 = arith.constant 0 : i32
    %dma_start3A_32 = tpu.memref_slice %arg3[%add3A_27, %dma_start3A_31] : memref<64x4224xf32, #tpu.memory_space<hbm>> -> memref<1x4224xf32, #tpu.memory_space<hbm>>
    %dma_start3A_33 = tpu.memref_squeeze %dma_start3A_32 : memref<1x4224xf32, #tpu.memory_space<hbm>> -> memref<4224xf32, #tpu.memory_space<hbm>>
    tpu.enqueue_dma source(%dma_start3A_33 : memref<4224xf32, #tpu.memory_space<hbm>>) target(%arg10 : memref<4224xf32, #tpu.memory_space<vmem>>) target_semaphore(%arg18 : memref<!tpu.dma_semaphore, #tpu.memory_space<semaphore_mem>>)
    %dma_wait3A = arith.constant 0 : i32
    %dma_wait3A_34 = tpu.memref_slice %arg2[%add3A_4, %dma_wait3A] : memref<64x2304xf32, #tpu.memory_space<hbm>> -> memref<1x2304xf32, #tpu.memory_space<hbm>>
    %dma_wait3A_35 = tpu.memref_squeeze %dma_wait3A_34 : memref<1x2304xf32, #tpu.memory_space<hbm>> -> memref<2304xf32, #tpu.memory_space<hbm>>
    %dma_wait3A_36 = arith.constant 0 : i32
    %dma_wait3A_37 = tpu.memref_slice %arg2[%add3A_4, %dma_wait3A_36] : memref<64x2304xf32, #tpu.memory_space<hbm>> -> memref<1x2304xf32, #tpu.memory_space<hbm>>
    %dma_wait3A_38 = tpu.memref_squeeze %dma_wait3A_37 : memref<1x2304xf32, #tpu.memory_space<hbm>> -> memref<2304xf32, #tpu.memory_space<hbm>>
    tpu.wait_dma2 semaphore(%arg17 : memref<!tpu.dma_semaphore, #tpu.memory_space<semaphore_mem>>) src(%dma_wait3A_38 : memref<2304xf32, #tpu.memory_space<hbm>>) dst(%arg7 : memref<2304xf32, #tpu.memory_space<vmem>>)
    %dma_wait3A_39 = arith.constant 0 : i32
    %dma_wait3A_40 = tpu.memref_slice %arg3[%add3A_11, %dma_wait3A_39] : memref<64x4224xf32, #tpu.memory_space<hbm>> -> memref<1x4224xf32, #tpu.memory_space<hbm>>
    %dma_wait3A_41 = tpu.memref_squeeze %dma_wait3A_40 : memref<1x4224xf32, #tpu.memory_space<hbm>> -> memref<4224xf32, #tpu.memory_space<hbm>>
    %dma_wait3A_42 = arith.constant 0 : i32
    %dma_wait3A_43 = tpu.memref_slice %arg3[%add3A_11, %dma_wait3A_42] : memref<64x4224xf32, #tpu.memory_space<hbm>> -> memref<1x4224xf32, #tpu.memory_space<hbm>>
    %dma_wait3A_44 = tpu.memref_squeeze %dma_wait3A_43 : memref<1x4224xf32, #tpu.memory_space<hbm>> -> memref<4224xf32, #tpu.memory_space<hbm>>
    tpu.wait_dma2 semaphore(%arg17 : memref<!tpu.dma_semaphore, #tpu.memory_space<semaphore_mem>>) src(%dma_wait3A_44 : memref<4224xf32, #tpu.memory_space<hbm>>) dst(%arg9 : memref<4224xf32, #tpu.memory_space<vmem>>)
    %parallel_loop3A = arith.constant 0 : i32
    %parallel_loop3A_45 = arith.constant 144 : i32
    %parallel_loop3A_46 = arith.constant 1 : i32
    scf.for %parallel_loop3A_138 = %parallel_loop3A to %parallel_loop3A_45 step %parallel_loop3A_46  : i32 {
      %parallel_loop3A_139 = arith.constant 16 : i32
      %parallel_loop3A_140 = arith.muli %parallel_loop3A_138, %parallel_loop3A_139 : i32
      %parallel_loop3A_141 = arith.index_cast %parallel_loop3A_140 : i32 to index
      %parallel_loop3A_142 = tpu.vector_load %arg7[%parallel_loop3A_141] {strides = array<i32>} : memref<2304xf32, #tpu.memory_space<vmem>>, vector<16xf32>,
      %parallel_loop3A_143 = arith.constant 0 : i32
      %parallel_loop3A_144 = vector.broadcast %parallel_loop3A_143 : i32 to vector<16xi32>
      %parallel_loop3A_145 = arith.constant 783 : i32
      %parallel_loop3A_146 = vector.broadcast %parallel_loop3A_145 : i32 to vector<16xi32>
      %parallel_loop3A_147 = arith.addi %parallel_loop3A_144, %parallel_loop3A_146 : vector<16xi32>
      %parallel_loop3A_148 = tpu.vector_load_idx %arg9[%parallel_loop3A_147] : memref<4224xf32, #tpu.memory_space<vmem>>[vector<16xi32>], vector<16xf32>,
      %parallel_loop3A_149 = arith.cmpf olt, %parallel_loop3A_148, %parallel_loop3A_142 : vector<16xf32>
      %parallel_loop3A_150 = arith.constant 256 : i32
      %parallel_loop3A_151 = vector.broadcast %parallel_loop3A_150 : i32 to vector<16xi32>
      %parallel_loop3A_152 = arith.addi %parallel_loop3A_144, %parallel_loop3A_151 : vector<16xi32>
      %parallel_loop3A_153 = arith.select %parallel_loop3A_149, %parallel_loop3A_152, %parallel_loop3A_144 : vector<16xi1>, vector<16xi32>
      %parallel_loop3A_154 = arith.constant 655 : i32
      %parallel_loop3A_155 = vector.broadcast %parallel_loop3A_154 : i32 to vector<16xi32>
      %parallel_loop3A_156 = arith.addi %parallel_loop3A_153, %parallel_loop3A_155 : vector<16xi32>
      %parallel_loop3A_157 = tpu.vector_load_idx %arg9[%parallel_loop3A_156] : memref<4224xf32, #tpu.memory_space<vmem>>[vector<16xi32>], vector<16xf32>,
      %parallel_loop3A_158 = arith.cmpf olt, %parallel_loop3A_157, %parallel_loop3A_142 : vector<16xf32>
      %parallel_loop3A_159 = arith.constant 128 : i32
      %parallel_loop3A_160 = vector.broadcast %parallel_loop3A_159 : i32 to vector<16xi32>
      %parallel_loop3A_161 = arith.addi %parallel_loop3A_153, %parallel_loop3A_160 : vector<16xi32>
      %parallel_loop3A_162 = arith.select %parallel_loop3A_158, %parallel_loop3A_161, %parallel_loop3A_153 : vector<16xi1>, vector<16xi32>
      %parallel_loop3A_163 = arith.constant 591 : i32
      %parallel_loop3A_164 = vector.broadcast %parallel_loop3A_163 : i32 to vector<16xi32>
      %parallel_loop3A_165 = arith.addi %parallel_loop3A_162, %parallel_loop3A_164 : vector<16xi32>
      %parallel_loop3A_166 = tpu.vector_load_idx %arg9[%parallel_loop3A_165] : memref<4224xf32, #tpu.memory_space<vmem>>[vector<16xi32>], vector<16xf32>,
      %parallel_loop3A_167 = arith.cmpf olt, %parallel_loop3A_166, %parallel_loop3A_142 : vector<16xf32>
      %parallel_loop3A_168 = arith.constant 64 : i32
      %parallel_loop3A_169 = vector.broadcast %parallel_loop3A_168 : i32 to vector<16xi32>
      %parallel_loop3A_170 = arith.addi %parallel_loop3A_162, %parallel_loop3A_169 : vector<16xi32>
      %parallel_loop3A_171 = arith.select %parallel_loop3A_167, %parallel_loop3A_170, %parallel_loop3A_162 : vector<16xi1>, vector<16xi32>
      %parallel_loop3A_172 = arith.constant 559 : i32
      %parallel_loop3A_173 = vector.broadcast %parallel_loop3A_172 : i32 to vector<16xi32>
      %parallel_loop3A_174 = arith.addi %parallel_loop3A_171, %parallel_loop3A_173 : vector<16xi32>
      %parallel_loop3A_175 = tpu.vector_load_idx %arg9[%parallel_loop3A_174] : memref<4224xf32, #tpu.memory_space<vmem>>[vector<16xi32>], vector<16xf32>,
      %parallel_loop3A_176 = arith.cmpf olt, %parallel_loop3A_175, %parallel_loop3A_142 : vector<16xf32>
      %parallel_loop3A_177 = arith.constant 32 : i32
      %parallel_loop3A_178 = vector.broadcast %parallel_loop3A_177 : i32 to vector<16xi32>
      %parallel_loop3A_179 = arith.addi %parallel_loop3A_171, %parallel_loop3A_178 : vector<16xi32>
      %parallel_loop3A_180 = arith.select %parallel_loop3A_176, %parallel_loop3A_179, %parallel_loop3A_171 : vector<16xi1>, vector<16xi32>
      %parallel_loop3A_181 = arith.constant 543 : i32
      %parallel_loop3A_182 = vector.broadcast %parallel_loop3A_181 : i32 to vector<16xi32>
      %parallel_loop3A_183 = arith.addi %parallel_loop3A_180, %parallel_loop3A_182 : vector<16xi32>
      %parallel_loop3A_184 = tpu.vector_load_idx %arg9[%parallel_loop3A_183] : memref<4224xf32, #tpu.memory_space<vmem>>[vector<16xi32>], vector<16xf32>,
      %parallel_loop3A_185 = arith.cmpf olt, %parallel_loop3A_184, %parallel_loop3A_142 : vector<16xf32>
      %parallel_loop3A_186 = arith.constant 16 : i32
      %parallel_loop3A_187 = vector.broadcast %parallel_loop3A_186 : i32 to vector<16xi32>
      %parallel_loop3A_188 = arith.addi %parallel_loop3A_180, %parallel_loop3A_187 : vector<16xi32>
      %parallel_loop3A_189 = arith.select %parallel_loop3A_185, %parallel_loop3A_188, %parallel_loop3A_180 : vector<16xi1>, vector<16xi32>
      %parallel_loop3A_190 = arith.constant 535 : i32
      %parallel_loop3A_191 = vector.broadcast %parallel_loop3A_190 : i32 to vector<16xi32>
      %parallel_loop3A_192 = arith.addi %parallel_loop3A_189, %parallel_loop3A_191 : vector<16xi32>
      %parallel_loop3A_193 = tpu.vector_load_idx %arg9[%parallel_loop3A_192] : memref<4224xf32, #tpu.memory_space<vmem>>[vector<16xi32>], vector<16xf32>,
      %parallel_loop3A_194 = arith.cmpf olt, %parallel_loop3A_193, %parallel_loop3A_142 : vector<16xf32>
      %parallel_loop3A_195 = arith.constant 8 : i32
      %parallel_loop3A_196 = vector.broadcast %parallel_loop3A_195 : i32 to vector<16xi32>
      %parallel_loop3A_197 = arith.addi %parallel_loop3A_189, %parallel_loop3A_196 : vector<16xi32>
      %parallel_loop3A_198 = arith.select %parallel_loop3A_194, %parallel_loop3A_197, %parallel_loop3A_189 : vector<16xi1>, vector<16xi32>
      %parallel_loop3A_199 = arith.constant 531 : i32
      %parallel_loop3A_200 = vector.broadcast %parallel_loop3A_199 : i32 to vector<16xi32>
      %parallel_loop3A_201 = arith.addi %parallel_loop3A_198, %parallel_loop3A_200 : vector<16xi32>
      %parallel_loop3A_202 = tpu.vector_load_idx %arg9[%parallel_loop3A_201] : memref<4224xf32, #tpu.memory_space<vmem>>[vector<16xi32>], vector<16xf32>,
      %parallel_loop3A_203 = arith.cmpf olt, %parallel_loop3A_202, %parallel_loop3A_142 : vector<16xf32>
      %parallel_loop3A_204 = arith.constant 4 : i32
      %parallel_loop3A_205 = vector.broadcast %parallel_loop3A_204 : i32 to vector<16xi32>
      %parallel_loop3A_206 = arith.addi %parallel_loop3A_198, %parallel_loop3A_205 : vector<16xi32>
      %parallel_loop3A_207 = arith.select %parallel_loop3A_203, %parallel_loop3A_206, %parallel_loop3A_198 : vector<16xi1>, vector<16xi32>
      %parallel_loop3A_208 = arith.constant 529 : i32
      %parallel_loop3A_209 = vector.broadcast %parallel_loop3A_208 : i32 to vector<16xi32>
      %parallel_loop3A_210 = arith.addi %parallel_loop3A_207, %parallel_loop3A_209 : vector<16xi32>
      %parallel_loop3A_211 = tpu.vector_load_idx %arg9[%parallel_loop3A_210] : memref<4224xf32, #tpu.memory_space<vmem>>[vector<16xi32>], vector<16xf32>,
      %parallel_loop3A_212 = arith.cmpf olt, %parallel_loop3A_211, %parallel_loop3A_142 : vector<16xf32>
      %parallel_loop3A_213 = arith.constant 2 : i32
      %parallel_loop3A_214 = vector.broadcast %parallel_loop3A_213 : i32 to vector<16xi32>
      %parallel_loop3A_215 = arith.addi %parallel_loop3A_207, %parallel_loop3A_214 : vector<16xi32>
      %parallel_loop3A_216 = arith.select %parallel_loop3A_212, %parallel_loop3A_215, %parallel_loop3A_207 : vector<16xi1>, vector<16xi32>
      %parallel_loop3A_217 = arith.constant 528 : i32
      %parallel_loop3A_218 = vector.broadcast %parallel_loop3A_217 : i32 to vector<16xi32>
      %parallel_loop3A_219 = arith.addi %parallel_loop3A_216, %parallel_loop3A_218 : vector<16xi32>
      %parallel_loop3A_220 = tpu.vector_load_idx %arg9[%parallel_loop3A_219] : memref<4224xf32, #tpu.memory_space<vmem>>[vector<16xi32>], vector<16xf32>,
      %parallel_loop3A_221 = arith.cmpf olt, %parallel_loop3A_220, %parallel_loop3A_142 : vector<16xf32>
      %parallel_loop3A_222 = arith.constant 1 : i32
      %parallel_loop3A_223 = vector.broadcast %parallel_loop3A_222 : i32 to vector<16xi32>
      %parallel_loop3A_224 = arith.addi %parallel_loop3A_216, %parallel_loop3A_223 : vector<16xi32>
      %parallel_loop3A_225 = arith.select %parallel_loop3A_221, %parallel_loop3A_224, %parallel_loop3A_216 : vector<16xi1>, vector<16xi32>
      %parallel_loop3A_226 = arith.constant 528 : i32
      %parallel_loop3A_227 = vector.broadcast %parallel_loop3A_226 : i32 to vector<16xi32>
      %parallel_loop3A_228 = arith.addi %parallel_loop3A_225, %parallel_loop3A_227 : vector<16xi32>
      %parallel_loop3A_229 = tpu.vector_load_idx %arg9[%parallel_loop3A_228] : memref<4224xf32, #tpu.memory_space<vmem>>[vector<16xi32>], vector<16xf32>,
      %parallel_loop3A_230 = arith.cmpf olt, %parallel_loop3A_229, %parallel_loop3A_142 : vector<16xf32>
      %parallel_loop3A_231 = arith.constant 1 : i32
      %parallel_loop3A_232 = vector.broadcast %parallel_loop3A_231 : i32 to vector<16xi32>
      %parallel_loop3A_233 = arith.addi %parallel_loop3A_225, %parallel_loop3A_232 : vector<16xi32>
      %parallel_loop3A_234 = arith.select %parallel_loop3A_230, %parallel_loop3A_233, %parallel_loop3A_225 : vector<16xi1>, vector<16xi32>
      %parallel_loop3A_235 = tpu.vector_load_idx %arg9[%parallel_loop3A_234] : memref<4224xf32, #tpu.memory_space<vmem>>[vector<16xi32>], vector<16xf32>,
      %parallel_loop3A_236 = arith.constant 528 : i32
      %parallel_loop3A_237 = vector.broadcast %parallel_loop3A_236 : i32 to vector<16xi32>
      %parallel_loop3A_238 = arith.addi %parallel_loop3A_234, %parallel_loop3A_237 : vector<16xi32>
      %parallel_loop3A_239 = tpu.vector_load_idx %arg9[%parallel_loop3A_238] : memref<4224xf32, #tpu.memory_space<vmem>>[vector<16xi32>], vector<16xf32>,
      %parallel_loop3A_240 = arith.constant 1056 : i32
      %parallel_loop3A_241 = vector.broadcast %parallel_loop3A_240 : i32 to vector<16xi32>
      %parallel_loop3A_242 = arith.addi %parallel_loop3A_234, %parallel_loop3A_241 : vector<16xi32>
      %parallel_loop3A_243 = tpu.vector_load_idx %arg9[%parallel_loop3A_242] : memref<4224xf32, #tpu.memory_space<vmem>>[vector<16xi32>], vector<16xf32>,
      %parallel_loop3A_244 = arith.constant 1584 : i32
      %parallel_loop3A_245 = vector.broadcast %parallel_loop3A_244 : i32 to vector<16xi32>
      %parallel_loop3A_246 = arith.addi %parallel_loop3A_234, %parallel_loop3A_245 : vector<16xi32>
      %parallel_loop3A_247 = tpu.vector_load_idx %arg9[%parallel_loop3A_246] : memref<4224xf32, #tpu.memory_space<vmem>>[vector<16xi32>], vector<16xf32>,
      %parallel_loop3A_248 = arith.constant 2112 : i32
      %parallel_loop3A_249 = vector.broadcast %parallel_loop3A_248 : i32 to vector<16xi32>
      %parallel_loop3A_250 = arith.addi %parallel_loop3A_234, %parallel_loop3A_249 : vector<16xi32>
      %parallel_loop3A_251 = tpu.vector_load_idx %arg9[%parallel_loop3A_250] : memref<4224xf32, #tpu.memory_space<vmem>>[vector<16xi32>], vector<16xf32>,
      %parallel_loop3A_252 = arith.constant 2640 : i32
      %parallel_loop3A_253 = vector.broadcast %parallel_loop3A_252 : i32 to vector<16xi32>
      %parallel_loop3A_254 = arith.addi %parallel_loop3A_234, %parallel_loop3A_253 : vector<16xi32>
      %parallel_loop3A_255 = tpu.vector_load_idx %arg9[%parallel_loop3A_254] : memref<4224xf32, #tpu.memory_space<vmem>>[vector<16xi32>], vector<16xf32>,
      %parallel_loop3A_256 = arith.constant 3168 : i32
      %parallel_loop3A_257 = vector.broadcast %parallel_loop3A_256 : i32 to vector<16xi32>
      %parallel_loop3A_258 = arith.addi %parallel_loop3A_234, %parallel_loop3A_257 : vector<16xi32>
      %parallel_loop3A_259 = tpu.vector_load_idx %arg9[%parallel_loop3A_258] : memref<4224xf32, #tpu.memory_space<vmem>>[vector<16xi32>], vector<16xf32>,
      %parallel_loop3A_260 = vector.bitcast %parallel_loop3A_259 : vector<16xf32> to vector<16xi32>
      %parallel_loop3A_261 = arith.constant 3696 : i32
      %parallel_loop3A_262 = vector.broadcast %parallel_loop3A_261 : i32 to vector<16xi32>
      %parallel_loop3A_263 = arith.addi %parallel_loop3A_234, %parallel_loop3A_262 : vector<16xi32>
      %parallel_loop3A_264 = tpu.vector_load_idx %arg9[%parallel_loop3A_263] : memref<4224xf32, #tpu.memory_space<vmem>>[vector<16xi32>], vector<16xf32>,
      %parallel_loop3A_265 = vector.bitcast %parallel_loop3A_264 : vector<16xf32> to vector<16xi32>
      %parallel_loop3A_266 = arith.constant 2.000000e+00 : f32
      %parallel_loop3A_267 = vector.broadcast %parallel_loop3A_266 : f32 to vector<16xf32>
      %parallel_loop3A_268 = arith.mulf %parallel_loop3A_267, %parallel_loop3A_142 : vector<16xf32>
      %parallel_loop3A_269 = math.exp %parallel_loop3A_268 : vector<16xf32>
      %parallel_loop3A_270 = arith.mulf %parallel_loop3A_269, %parallel_loop3A_255 : vector<16xf32>
      %parallel_loop3A_271 = arith.addf %parallel_loop3A_247, %parallel_loop3A_270 : vector<16xf32>
      %parallel_loop3A_272 = arith.mulf %parallel_loop3A_269, %parallel_loop3A_251 : vector<16xf32>
      %parallel_loop3A_273 = arith.addf %parallel_loop3A_243, %parallel_loop3A_272 : vector<16xf32>
      %parallel_loop3A_274 = arith.divf %parallel_loop3A_271, %parallel_loop3A_273 : vector<16xf32>
      %parallel_loop3A_275 = arith.subf %parallel_loop3A_142, %parallel_loop3A_235 : vector<16xf32>
      %parallel_loop3A_276 = arith.subf %parallel_loop3A_239, %parallel_loop3A_142 : vector<16xf32>
      %parallel_loop3A_277 = arith.cmpf olt, %parallel_loop3A_275, %parallel_loop3A_276 : vector<16xf32>
      %parallel_loop3A_278 = arith.cmpf oeq, %parallel_loop3A_275, %parallel_loop3A_276 : vector<16xf32>
      %parallel_loop3A_279 = arith.cmpi slt, %parallel_loop3A_260, %parallel_loop3A_265 : vector<16xi32>
      %parallel_loop3A_280 = arith.andi %parallel_loop3A_278, %parallel_loop3A_279 : vector<16xi1>
      %parallel_loop3A_281 = arith.ori %parallel_loop3A_277, %parallel_loop3A_280 : vector<16xi1>
      %parallel_loop3A_282 = arith.index_cast %parallel_loop3A_140 : i32 to index
      %parallel_loop3A_283 = tpu.vector_load %arg11[%parallel_loop3A_282] {strides = array<i32>} : memref<2304xf32, #tpu.memory_space<vmem>>, vector<16xf32>,
      tpu.vector_store %arg11[%parallel_loop3A_282], %parallel_loop3A_274 {strides = array<i32>} : memref<2304xf32, #tpu.memory_space<vmem>>, vector<16xf32>,
      %parallel_loop3A_284 = arith.select %parallel_loop3A_281, %parallel_loop3A_235, %parallel_loop3A_239 : vector<16xi1>, vector<16xf32>
      %parallel_loop3A_285 = arith.index_cast %parallel_loop3A_140 : i32 to index
      %parallel_loop3A_286 = tpu.vector_load %arg13[%parallel_loop3A_285] {strides = array<i32>} : memref<2304xf32, #tpu.memory_space<vmem>>, vector<16xf32>,
      tpu.vector_store %arg13[%parallel_loop3A_285], %parallel_loop3A_284 {strides = array<i32>} : memref<2304xf32, #tpu.memory_space<vmem>>, vector<16xf32>,
      %parallel_loop3A_287 = arith.select %parallel_loop3A_281, %parallel_loop3A_260, %parallel_loop3A_265 : vector<16xi1>, vector<16xi32>
      %parallel_loop3A_288 = arith.index_cast %parallel_loop3A_140 : i32 to index
      %parallel_loop3A_289 = tpu.vector_load %arg15[%parallel_loop3A_288] {strides = array<i32>} : memref<2304xi32, #tpu.memory_space<vmem>>, vector<16xi32>,
      tpu.vector_store %arg15[%parallel_loop3A_288], %parallel_loop3A_287 {strides = array<i32>} : memref<2304xi32, #tpu.memory_space<vmem>>, vector<16xi32>,
    } {sc.loop_unroll_factor = 16 : i64, sc.parallel_access}
    %add3A_47 = arith.constant 0 : i32
    %add3A_48 = arith.addi %mul3A_2, %add3A_47 : i32
    %dma_start3A_49 = arith.constant 0 : i32
    %dma_start3A_50 = tpu.memref_slice %arg4[%add3A_48, %dma_start3A_49] : memref<64x2304xf32, #tpu.memory_space<hbm>> -> memref<1x2304xf32, #tpu.memory_space<hbm>>
    %dma_start3A_51 = tpu.memref_squeeze %dma_start3A_50 : memref<1x2304xf32, #tpu.memory_space<hbm>> -> memref<2304xf32, #tpu.memory_space<hbm>>
    %dma_start3A_52 = arith.constant 0 : i32
    %dma_start3A_53 = tpu.memref_slice %arg4[%add3A_48, %dma_start3A_52] : memref<64x2304xf32, #tpu.memory_space<hbm>> -> memref<1x2304xf32, #tpu.memory_space<hbm>>
    %dma_start3A_54 = tpu.memref_squeeze %dma_start3A_53 : memref<1x2304xf32, #tpu.memory_space<hbm>> -> memref<2304xf32, #tpu.memory_space<hbm>>
    tpu.enqueue_dma source(%arg11 : memref<2304xf32, #tpu.memory_space<vmem>>) target(%dma_start3A_54 : memref<2304xf32, #tpu.memory_space<hbm>>) target_semaphore(%arg19 : memref<!tpu.dma_semaphore, #tpu.memory_space<semaphore_mem>>)
    %dma_start3A_55 = arith.constant 0 : i32
    %dma_start3A_56 = tpu.memref_slice %arg5[%add3A_48, %dma_start3A_55] : memref<64x2304xf32, #tpu.memory_space<hbm>> -> memref<1x2304xf32, #tpu.memory_space<hbm>>
    %dma_start3A_57 = tpu.memref_squeeze %dma_start3A_56 : memref<1x2304xf32, #tpu.memory_space<hbm>> -> memref<2304xf32, #tpu.memory_space<hbm>>
    %dma_start3A_58 = arith.constant 0 : i32
    %dma_start3A_59 = tpu.memref_slice %arg5[%add3A_48, %dma_start3A_58] : memref<64x2304xf32, #tpu.memory_space<hbm>> -> memref<1x2304xf32, #tpu.memory_space<hbm>>
    %dma_start3A_60 = tpu.memref_squeeze %dma_start3A_59 : memref<1x2304xf32, #tpu.memory_space<hbm>> -> memref<2304xf32, #tpu.memory_space<hbm>>
    tpu.enqueue_dma source(%arg13 : memref<2304xf32, #tpu.memory_space<vmem>>) target(%dma_start3A_60 : memref<2304xf32, #tpu.memory_space<hbm>>) target_semaphore(%arg19 : memref<!tpu.dma_semaphore, #tpu.memory_space<semaphore_mem>>)
    %dma_start3A_61 = arith.constant 0 : i32
    %dma_start3A_62 = tpu.memref_slice %arg6[%add3A_48, %dma_start3A_61] : memref<64x2304xi32, #tpu.memory_space<hbm>> -> memref<1x2304xi32, #tpu.memory_space<hbm>>
    %dma_start3A_63 = tpu.memref_squeeze %dma_start3A_62 : memref<1x2304xi32, #tpu.memory_space<hbm>> -> memref<2304xi32, #tpu.memory_space<hbm>>
    %dma_start3A_64 = arith.constant 0 : i32
    %dma_start3A_65 = tpu.memref_slice %arg6[%add3A_48, %dma_start3A_64] : memref<64x2304xi32, #tpu.memory_space<hbm>> -> memref<1x2304xi32, #tpu.memory_space<hbm>>
    %dma_start3A_66 = tpu.memref_squeeze %dma_start3A_65 : memref<1x2304xi32, #tpu.memory_space<hbm>> -> memref<2304xi32, #tpu.memory_space<hbm>>
    tpu.enqueue_dma source(%arg15 : memref<2304xi32, #tpu.memory_space<vmem>>) target(%dma_start3A_66 : memref<2304xi32, #tpu.memory_space<hbm>>) target_semaphore(%arg19 : memref<!tpu.dma_semaphore, #tpu.memory_space<semaphore_mem>>)
    %dma_wait3A_67 = arith.constant 0 : i32
    %dma_wait3A_68 = tpu.memref_slice %arg2[%add3A_19, %dma_wait3A_67] : memref<64x2304xf32, #tpu.memory_space<hbm>> -> memref<1x2304xf32, #tpu.memory_space<hbm>>
    %dma_wait3A_69 = tpu.memref_squeeze %dma_wait3A_68 : memref<1x2304xf32, #tpu.memory_space<hbm>> -> memref<2304xf32, #tpu.memory_space<hbm>>
    %dma_wait3A_70 = arith.constant 0 : i32
    %dma_wait3A_71 = tpu.memref_slice %arg2[%add3A_19, %dma_wait3A_70] : memref<64x2304xf32, #tpu.memory_space<hbm>> -> memref<1x2304xf32, #tpu.memory_space<hbm>>
    %dma_wait3A_72 = tpu.memref_squeeze %dma_wait3A_71 : memref<1x2304xf32, #tpu.memory_space<hbm>> -> memref<2304xf32, #tpu.memory_space<hbm>>
    tpu.wait_dma2 semaphore(%arg18 : memref<!tpu.dma_semaphore, #tpu.memory_space<semaphore_mem>>) src(%dma_wait3A_72 : memref<2304xf32, #tpu.memory_space<hbm>>) dst(%arg8 : memref<2304xf32, #tpu.memory_space<vmem>>)
    %dma_wait3A_73 = arith.constant 0 : i32
    %dma_wait3A_74 = tpu.memref_slice %arg3[%add3A_27, %dma_wait3A_73] : memref<64x4224xf32, #tpu.memory_space<hbm>> -> memref<1x4224xf32, #tpu.memory_space<hbm>>
    %dma_wait3A_75 = tpu.memref_squeeze %dma_wait3A_74 : memref<1x4224xf32, #tpu.memory_space<hbm>> -> memref<4224xf32, #tpu.memory_space<hbm>>
    %dma_wait3A_76 = arith.constant 0 : i32
    %dma_wait3A_77 = tpu.memref_slice %arg3[%add3A_27, %dma_wait3A_76] : memref<64x4224xf32, #tpu.memory_space<hbm>> -> memref<1x4224xf32, #tpu.memory_space<hbm>>
    %dma_wait3A_78 = tpu.memref_squeeze %dma_wait3A_77 : memref<1x4224xf32, #tpu.memory_space<hbm>> -> memref<4224xf32, #tpu.memory_space<hbm>>
    tpu.wait_dma2 semaphore(%arg18 : memref<!tpu.dma_semaphore, #tpu.memory_space<semaphore_mem>>) src(%dma_wait3A_78 : memref<4224xf32, #tpu.memory_space<hbm>>) dst(%arg10 : memref<4224xf32, #tpu.memory_space<vmem>>)
    %parallel_loop3A_79 = arith.constant 0 : i32
    %parallel_loop3A_80 = arith.constant 144 : i32
    %parallel_loop3A_81 = arith.constant 1 : i32
    scf.for %parallel_loop3A_138 = %parallel_loop3A_79 to %parallel_loop3A_80 step %parallel_loop3A_81  : i32 {
      %parallel_loop3A_139 = arith.constant 16 : i32
      %parallel_loop3A_140 = arith.muli %parallel_loop3A_138, %parallel_loop3A_139 : i32
      %parallel_loop3A_141 = arith.index_cast %parallel_loop3A_140 : i32 to index
      %parallel_loop3A_142 = tpu.vector_load %arg8[%parallel_loop3A_141] {strides = array<i32>} : memref<2304xf32, #tpu.memory_space<vmem>>, vector<16xf32>,
      %parallel_loop3A_143 = arith.constant 0 : i32
      %parallel_loop3A_144 = vector.broadcast %parallel_loop3A_143 : i32 to vector<16xi32>
      %parallel_loop3A_145 = arith.constant 783 : i32
      %parallel_loop3A_146 = vector.broadcast %parallel_loop3A_145 : i32 to vector<16xi32>
      %parallel_loop3A_147 = arith.addi %parallel_loop3A_144, %parallel_loop3A_146 : vector<16xi32>
      %parallel_loop3A_148 = tpu.vector_load_idx %arg10[%parallel_loop3A_147] : memref<4224xf32, #tpu.memory_space<vmem>>[vector<16xi32>], vector<16xf32>,
      %parallel_loop3A_149 = arith.cmpf olt, %parallel_loop3A_148, %parallel_loop3A_142 : vector<16xf32>
      %parallel_loop3A_150 = arith.constant 256 : i32
      %parallel_loop3A_151 = vector.broadcast %parallel_loop3A_150 : i32 to vector<16xi32>
      %parallel_loop3A_152 = arith.addi %parallel_loop3A_144, %parallel_loop3A_151 : vector<16xi32>
      %parallel_loop3A_153 = arith.select %parallel_loop3A_149, %parallel_loop3A_152, %parallel_loop3A_144 : vector<16xi1>, vector<16xi32>
      %parallel_loop3A_154 = arith.constant 655 : i32
      %parallel_loop3A_155 = vector.broadcast %parallel_loop3A_154 : i32 to vector<16xi32>
      %parallel_loop3A_156 = arith.addi %parallel_loop3A_153, %parallel_loop3A_155 : vector<16xi32>
      %parallel_loop3A_157 = tpu.vector_load_idx %arg10[%parallel_loop3A_156] : memref<4224xf32, #tpu.memory_space<vmem>>[vector<16xi32>], vector<16xf32>,
      %parallel_loop3A_158 = arith.cmpf olt, %parallel_loop3A_157, %parallel_loop3A_142 : vector<16xf32>
      %parallel_loop3A_159 = arith.constant 128 : i32
      %parallel_loop3A_160 = vector.broadcast %parallel_loop3A_159 : i32 to vector<16xi32>
      %parallel_loop3A_161 = arith.addi %parallel_loop3A_153, %parallel_loop3A_160 : vector<16xi32>
      %parallel_loop3A_162 = arith.select %parallel_loop3A_158, %parallel_loop3A_161, %parallel_loop3A_153 : vector<16xi1>, vector<16xi32>
      %parallel_loop3A_163 = arith.constant 591 : i32
      %parallel_loop3A_164 = vector.broadcast %parallel_loop3A_163 : i32 to vector<16xi32>
      %parallel_loop3A_165 = arith.addi %parallel_loop3A_162, %parallel_loop3A_164 : vector<16xi32>
      %parallel_loop3A_166 = tpu.vector_load_idx %arg10[%parallel_loop3A_165] : memref<4224xf32, #tpu.memory_space<vmem>>[vector<16xi32>], vector<16xf32>,
      %parallel_loop3A_167 = arith.cmpf olt, %parallel_loop3A_166, %parallel_loop3A_142 : vector<16xf32>
      %parallel_loop3A_168 = arith.constant 64 : i32
      %parallel_loop3A_169 = vector.broadcast %parallel_loop3A_168 : i32 to vector<16xi32>
      %parallel_loop3A_170 = arith.addi %parallel_loop3A_162, %parallel_loop3A_169 : vector<16xi32>
      %parallel_loop3A_171 = arith.select %parallel_loop3A_167, %parallel_loop3A_170, %parallel_loop3A_162 : vector<16xi1>, vector<16xi32>
      %parallel_loop3A_172 = arith.constant 559 : i32
      %parallel_loop3A_173 = vector.broadcast %parallel_loop3A_172 : i32 to vector<16xi32>
      %parallel_loop3A_174 = arith.addi %parallel_loop3A_171, %parallel_loop3A_173 : vector<16xi32>
      %parallel_loop3A_175 = tpu.vector_load_idx %arg10[%parallel_loop3A_174] : memref<4224xf32, #tpu.memory_space<vmem>>[vector<16xi32>], vector<16xf32>,
      %parallel_loop3A_176 = arith.cmpf olt, %parallel_loop3A_175, %parallel_loop3A_142 : vector<16xf32>
      %parallel_loop3A_177 = arith.constant 32 : i32
      %parallel_loop3A_178 = vector.broadcast %parallel_loop3A_177 : i32 to vector<16xi32>
      %parallel_loop3A_179 = arith.addi %parallel_loop3A_171, %parallel_loop3A_178 : vector<16xi32>
      %parallel_loop3A_180 = arith.select %parallel_loop3A_176, %parallel_loop3A_179, %parallel_loop3A_171 : vector<16xi1>, vector<16xi32>
      %parallel_loop3A_181 = arith.constant 543 : i32
      %parallel_loop3A_182 = vector.broadcast %parallel_loop3A_181 : i32 to vector<16xi32>
      %parallel_loop3A_183 = arith.addi %parallel_loop3A_180, %parallel_loop3A_182 : vector<16xi32>
      %parallel_loop3A_184 = tpu.vector_load_idx %arg10[%parallel_loop3A_183] : memref<4224xf32, #tpu.memory_space<vmem>>[vector<16xi32>], vector<16xf32>,
      %parallel_loop3A_185 = arith.cmpf olt, %parallel_loop3A_184, %parallel_loop3A_142 : vector<16xf32>
      %parallel_loop3A_186 = arith.constant 16 : i32
      %parallel_loop3A_187 = vector.broadcast %parallel_loop3A_186 : i32 to vector<16xi32>
      %parallel_loop3A_188 = arith.addi %parallel_loop3A_180, %parallel_loop3A_187 : vector<16xi32>
      %parallel_loop3A_189 = arith.select %parallel_loop3A_185, %parallel_loop3A_188, %parallel_loop3A_180 : vector<16xi1>, vector<16xi32>
      %parallel_loop3A_190 = arith.constant 535 : i32
      %parallel_loop3A_191 = vector.broadcast %parallel_loop3A_190 : i32 to vector<16xi32>
      %parallel_loop3A_192 = arith.addi %parallel_loop3A_189, %parallel_loop3A_191 : vector<16xi32>
      %parallel_loop3A_193 = tpu.vector_load_idx %arg10[%parallel_loop3A_192] : memref<4224xf32, #tpu.memory_space<vmem>>[vector<16xi32>], vector<16xf32>,
      %parallel_loop3A_194 = arith.cmpf olt, %parallel_loop3A_193, %parallel_loop3A_142 : vector<16xf32>
      %parallel_loop3A_195 = arith.constant 8 : i32
      %parallel_loop3A_196 = vector.broadcast %parallel_loop3A_195 : i32 to vector<16xi32>
      %parallel_loop3A_197 = arith.addi %parallel_loop3A_189, %parallel_loop3A_196 : vector<16xi32>
      %parallel_loop3A_198 = arith.select %parallel_loop3A_194, %parallel_loop3A_197, %parallel_loop3A_189 : vector<16xi1>, vector<16xi32>
      %parallel_loop3A_199 = arith.constant 531 : i32
      %parallel_loop3A_200 = vector.broadcast %parallel_loop3A_199 : i32 to vector<16xi32>
      %parallel_loop3A_201 = arith.addi %parallel_loop3A_198, %parallel_loop3A_200 : vector<16xi32>
      %parallel_loop3A_202 = tpu.vector_load_idx %arg10[%parallel_loop3A_201] : memref<4224xf32, #tpu.memory_space<vmem>>[vector<16xi32>], vector<16xf32>,
      %parallel_loop3A_203 = arith.cmpf olt, %parallel_loop3A_202, %parallel_loop3A_142 : vector<16xf32>
      %parallel_loop3A_204 = arith.constant 4 : i32
      %parallel_loop3A_205 = vector.broadcast %parallel_loop3A_204 : i32 to vector<16xi32>
      %parallel_loop3A_206 = arith.addi %parallel_loop3A_198, %parallel_loop3A_205 : vector<16xi32>
      %parallel_loop3A_207 = arith.select %parallel_loop3A_203, %parallel_loop3A_206, %parallel_loop3A_198 : vector<16xi1>, vector<16xi32>
      %parallel_loop3A_208 = arith.constant 529 : i32
      %parallel_loop3A_209 = vector.broadcast %parallel_loop3A_208 : i32 to vector<16xi32>
      %parallel_loop3A_210 = arith.addi %parallel_loop3A_207, %parallel_loop3A_209 : vector<16xi32>
      %parallel_loop3A_211 = tpu.vector_load_idx %arg10[%parallel_loop3A_210] : memref<4224xf32, #tpu.memory_space<vmem>>[vector<16xi32>], vector<16xf32>,
      %parallel_loop3A_212 = arith.cmpf olt, %parallel_loop3A_211, %parallel_loop3A_142 : vector<16xf32>
      %parallel_loop3A_213 = arith.constant 2 : i32
      %parallel_loop3A_214 = vector.broadcast %parallel_loop3A_213 : i32 to vector<16xi32>
      %parallel_loop3A_215 = arith.addi %parallel_loop3A_207, %parallel_loop3A_214 : vector<16xi32>
      %parallel_loop3A_216 = arith.select %parallel_loop3A_212, %parallel_loop3A_215, %parallel_loop3A_207 : vector<16xi1>, vector<16xi32>
      %parallel_loop3A_217 = arith.constant 528 : i32
      %parallel_loop3A_218 = vector.broadcast %parallel_loop3A_217 : i32 to vector<16xi32>
      %parallel_loop3A_219 = arith.addi %parallel_loop3A_216, %parallel_loop3A_218 : vector<16xi32>
      %parallel_loop3A_220 = tpu.vector_load_idx %arg10[%parallel_loop3A_219] : memref<4224xf32, #tpu.memory_space<vmem>>[vector<16xi32>], vector<16xf32>,
      %parallel_loop3A_221 = arith.cmpf olt, %parallel_loop3A_220, %parallel_loop3A_142 : vector<16xf32>
      %parallel_loop3A_222 = arith.constant 1 : i32
      %parallel_loop3A_223 = vector.broadcast %parallel_loop3A_222 : i32 to vector<16xi32>
      %parallel_loop3A_224 = arith.addi %parallel_loop3A_216, %parallel_loop3A_223 : vector<16xi32>
      %parallel_loop3A_225 = arith.select %parallel_loop3A_221, %parallel_loop3A_224, %parallel_loop3A_216 : vector<16xi1>, vector<16xi32>
      %parallel_loop3A_226 = arith.constant 528 : i32
      %parallel_loop3A_227 = vector.broadcast %parallel_loop3A_226 : i32 to vector<16xi32>
      %parallel_loop3A_228 = arith.addi %parallel_loop3A_225, %parallel_loop3A_227 : vector<16xi32>
      %parallel_loop3A_229 = tpu.vector_load_idx %arg10[%parallel_loop3A_228] : memref<4224xf32, #tpu.memory_space<vmem>>[vector<16xi32>], vector<16xf32>,
      %parallel_loop3A_230 = arith.cmpf olt, %parallel_loop3A_229, %parallel_loop3A_142 : vector<16xf32>
      %parallel_loop3A_231 = arith.constant 1 : i32
      %parallel_loop3A_232 = vector.broadcast %parallel_loop3A_231 : i32 to vector<16xi32>
      %parallel_loop3A_233 = arith.addi %parallel_loop3A_225, %parallel_loop3A_232 : vector<16xi32>
      %parallel_loop3A_234 = arith.select %parallel_loop3A_230, %parallel_loop3A_233, %parallel_loop3A_225 : vector<16xi1>, vector<16xi32>
      %parallel_loop3A_235 = tpu.vector_load_idx %arg10[%parallel_loop3A_234] : memref<4224xf32, #tpu.memory_space<vmem>>[vector<16xi32>], vector<16xf32>,
      %parallel_loop3A_236 = arith.constant 528 : i32
      %parallel_loop3A_237 = vector.broadcast %parallel_loop3A_236 : i32 to vector<16xi32>
      %parallel_loop3A_238 = arith.addi %parallel_loop3A_234, %parallel_loop3A_237 : vector<16xi32>
      %parallel_loop3A_239 = tpu.vector_load_idx %arg10[%parallel_loop3A_238] : memref<4224xf32, #tpu.memory_space<vmem>>[vector<16xi32>], vector<16xf32>,
      %parallel_loop3A_240 = arith.constant 1056 : i32
      %parallel_loop3A_241 = vector.broadcast %parallel_loop3A_240 : i32 to vector<16xi32>
      %parallel_loop3A_242 = arith.addi %parallel_loop3A_234, %parallel_loop3A_241 : vector<16xi32>
      %parallel_loop3A_243 = tpu.vector_load_idx %arg10[%parallel_loop3A_242] : memref<4224xf32, #tpu.memory_space<vmem>>[vector<16xi32>], vector<16xf32>,
      %parallel_loop3A_244 = arith.constant 1584 : i32
      %parallel_loop3A_245 = vector.broadcast %parallel_loop3A_244 : i32 to vector<16xi32>
      %parallel_loop3A_246 = arith.addi %parallel_loop3A_234, %parallel_loop3A_245 : vector<16xi32>
      %parallel_loop3A_247 = tpu.vector_load_idx %arg10[%parallel_loop3A_246] : memref<4224xf32, #tpu.memory_space<vmem>>[vector<16xi32>], vector<16xf32>,
      %parallel_loop3A_248 = arith.constant 2112 : i32
      %parallel_loop3A_249 = vector.broadcast %parallel_loop3A_248 : i32 to vector<16xi32>
      %parallel_loop3A_250 = arith.addi %parallel_loop3A_234, %parallel_loop3A_249 : vector<16xi32>
      %parallel_loop3A_251 = tpu.vector_load_idx %arg10[%parallel_loop3A_250] : memref<4224xf32, #tpu.memory_space<vmem>>[vector<16xi32>], vector<16xf32>,
      %parallel_loop3A_252 = arith.constant 2640 : i32
      %parallel_loop3A_253 = vector.broadcast %parallel_loop3A_252 : i32 to vector<16xi32>
      %parallel_loop3A_254 = arith.addi %parallel_loop3A_234, %parallel_loop3A_253 : vector<16xi32>
      %parallel_loop3A_255 = tpu.vector_load_idx %arg10[%parallel_loop3A_254] : memref<4224xf32, #tpu.memory_space<vmem>>[vector<16xi32>], vector<16xf32>,
      %parallel_loop3A_256 = arith.constant 3168 : i32
      %parallel_loop3A_257 = vector.broadcast %parallel_loop3A_256 : i32 to vector<16xi32>
      %parallel_loop3A_258 = arith.addi %parallel_loop3A_234, %parallel_loop3A_257 : vector<16xi32>
      %parallel_loop3A_259 = tpu.vector_load_idx %arg10[%parallel_loop3A_258] : memref<4224xf32, #tpu.memory_space<vmem>>[vector<16xi32>], vector<16xf32>,
      %parallel_loop3A_260 = vector.bitcast %parallel_loop3A_259 : vector<16xf32> to vector<16xi32>
      %parallel_loop3A_261 = arith.constant 3696 : i32
      %parallel_loop3A_262 = vector.broadcast %parallel_loop3A_261 : i32 to vector<16xi32>
      %parallel_loop3A_263 = arith.addi %parallel_loop3A_234, %parallel_loop3A_262 : vector<16xi32>
      %parallel_loop3A_264 = tpu.vector_load_idx %arg10[%parallel_loop3A_263] : memref<4224xf32, #tpu.memory_space<vmem>>[vector<16xi32>], vector<16xf32>,
      %parallel_loop3A_265 = vector.bitcast %parallel_loop3A_264 : vector<16xf32> to vector<16xi32>
      %parallel_loop3A_266 = arith.constant 2.000000e+00 : f32
      %parallel_loop3A_267 = vector.broadcast %parallel_loop3A_266 : f32 to vector<16xf32>
      %parallel_loop3A_268 = arith.mulf %parallel_loop3A_267, %parallel_loop3A_142 : vector<16xf32>
      %parallel_loop3A_269 = math.exp %parallel_loop3A_268 : vector<16xf32>
      %parallel_loop3A_270 = arith.mulf %parallel_loop3A_269, %parallel_loop3A_255 : vector<16xf32>
      %parallel_loop3A_271 = arith.addf %parallel_loop3A_247, %parallel_loop3A_270 : vector<16xf32>
      %parallel_loop3A_272 = arith.mulf %parallel_loop3A_269, %parallel_loop3A_251 : vector<16xf32>
      %parallel_loop3A_273 = arith.addf %parallel_loop3A_243, %parallel_loop3A_272 : vector<16xf32>
      %parallel_loop3A_274 = arith.divf %parallel_loop3A_271, %parallel_loop3A_273 : vector<16xf32>
      %parallel_loop3A_275 = arith.subf %parallel_loop3A_142, %parallel_loop3A_235 : vector<16xf32>
      %parallel_loop3A_276 = arith.subf %parallel_loop3A_239, %parallel_loop3A_142 : vector<16xf32>
      %parallel_loop3A_277 = arith.cmpf olt, %parallel_loop3A_275, %parallel_loop3A_276 : vector<16xf32>
      %parallel_loop3A_278 = arith.cmpf oeq, %parallel_loop3A_275, %parallel_loop3A_276 : vector<16xf32>
      %parallel_loop3A_279 = arith.cmpi slt, %parallel_loop3A_260, %parallel_loop3A_265 : vector<16xi32>
      %parallel_loop3A_280 = arith.andi %parallel_loop3A_278, %parallel_loop3A_279 : vector<16xi1>
      %parallel_loop3A_281 = arith.ori %parallel_loop3A_277, %parallel_loop3A_280 : vector<16xi1>
      %parallel_loop3A_282 = arith.index_cast %parallel_loop3A_140 : i32 to index
      %parallel_loop3A_283 = tpu.vector_load %arg12[%parallel_loop3A_282] {strides = array<i32>} : memref<2304xf32, #tpu.memory_space<vmem>>, vector<16xf32>,
      tpu.vector_store %arg12[%parallel_loop3A_282], %parallel_loop3A_274 {strides = array<i32>} : memref<2304xf32, #tpu.memory_space<vmem>>, vector<16xf32>,
      %parallel_loop3A_284 = arith.select %parallel_loop3A_281, %parallel_loop3A_235, %parallel_loop3A_239 : vector<16xi1>, vector<16xf32>
      %parallel_loop3A_285 = arith.index_cast %parallel_loop3A_140 : i32 to index
      %parallel_loop3A_286 = tpu.vector_load %arg14[%parallel_loop3A_285] {strides = array<i32>} : memref<2304xf32, #tpu.memory_space<vmem>>, vector<16xf32>,
      tpu.vector_store %arg14[%parallel_loop3A_285], %parallel_loop3A_284 {strides = array<i32>} : memref<2304xf32, #tpu.memory_space<vmem>>, vector<16xf32>,
      %parallel_loop3A_287 = arith.select %parallel_loop3A_281, %parallel_loop3A_260, %parallel_loop3A_265 : vector<16xi1>, vector<16xi32>
      %parallel_loop3A_288 = arith.index_cast %parallel_loop3A_140 : i32 to index
      %parallel_loop3A_289 = tpu.vector_load %arg16[%parallel_loop3A_288] {strides = array<i32>} : memref<2304xi32, #tpu.memory_space<vmem>>, vector<16xi32>,
      tpu.vector_store %arg16[%parallel_loop3A_288], %parallel_loop3A_287 {strides = array<i32>} : memref<2304xi32, #tpu.memory_space<vmem>>, vector<16xi32>,
    } {sc.loop_unroll_factor = 16 : i64, sc.parallel_access}
    %add3A_82 = arith.constant 1 : i32
    %add3A_83 = arith.addi %mul3A_2, %add3A_82 : i32
    %dma_start3A_84 = arith.constant 0 : i32
    %dma_start3A_85 = tpu.memref_slice %arg4[%add3A_83, %dma_start3A_84] : memref<64x2304xf32, #tpu.memory_space<hbm>> -> memref<1x2304xf32, #tpu.memory_space<hbm>>
    %dma_start3A_86 = tpu.memref_squeeze %dma_start3A_85 : memref<1x2304xf32, #tpu.memory_space<hbm>> -> memref<2304xf32, #tpu.memory_space<hbm>>
    %dma_start3A_87 = arith.constant 0 : i32
    %dma_start3A_88 = tpu.memref_slice %arg4[%add3A_83, %dma_start3A_87] : memref<64x2304xf32, #tpu.memory_space<hbm>> -> memref<1x2304xf32, #tpu.memory_space<hbm>>
    %dma_start3A_89 = tpu.memref_squeeze %dma_start3A_88 : memref<1x2304xf32, #tpu.memory_space<hbm>> -> memref<2304xf32, #tpu.memory_space<hbm>>
    tpu.enqueue_dma source(%arg12 : memref<2304xf32, #tpu.memory_space<vmem>>) target(%dma_start3A_89 : memref<2304xf32, #tpu.memory_space<hbm>>) target_semaphore(%arg19 : memref<!tpu.dma_semaphore, #tpu.memory_space<semaphore_mem>>)
    %dma_start3A_90 = arith.constant 0 : i32
    %dma_start3A_91 = tpu.memref_slice %arg5[%add3A_83, %dma_start3A_90] : memref<64x2304xf32, #tpu.memory_space<hbm>> -> memref<1x2304xf32, #tpu.memory_space<hbm>>
    %dma_start3A_92 = tpu.memref_squeeze %dma_start3A_91 : memref<1x2304xf32, #tpu.memory_space<hbm>> -> memref<2304xf32, #tpu.memory_space<hbm>>
    %dma_start3A_93 = arith.constant 0 : i32
    %dma_start3A_94 = tpu.memref_slice %arg5[%add3A_83, %dma_start3A_93] : memref<64x2304xf32, #tpu.memory_space<hbm>> -> memref<1x2304xf32, #tpu.memory_space<hbm>>
    %dma_start3A_95 = tpu.memref_squeeze %dma_start3A_94 : memref<1x2304xf32, #tpu.memory_space<hbm>> -> memref<2304xf32, #tpu.memory_space<hbm>>
    tpu.enqueue_dma source(%arg14 : memref<2304xf32, #tpu.memory_space<vmem>>) target(%dma_start3A_95 : memref<2304xf32, #tpu.memory_space<hbm>>) target_semaphore(%arg19 : memref<!tpu.dma_semaphore, #tpu.memory_space<semaphore_mem>>)
    %dma_start3A_96 = arith.constant 0 : i32
    %dma_start3A_97 = tpu.memref_slice %arg6[%add3A_83, %dma_start3A_96] : memref<64x2304xi32, #tpu.memory_space<hbm>> -> memref<1x2304xi32, #tpu.memory_space<hbm>>
    %dma_start3A_98 = tpu.memref_squeeze %dma_start3A_97 : memref<1x2304xi32, #tpu.memory_space<hbm>> -> memref<2304xi32, #tpu.memory_space<hbm>>
    %dma_start3A_99 = arith.constant 0 : i32
    %dma_start3A_100 = tpu.memref_slice %arg6[%add3A_83, %dma_start3A_99] : memref<64x2304xi32, #tpu.memory_space<hbm>> -> memref<1x2304xi32, #tpu.memory_space<hbm>>
    %dma_start3A_101 = tpu.memref_squeeze %dma_start3A_100 : memref<1x2304xi32, #tpu.memory_space<hbm>> -> memref<2304xi32, #tpu.memory_space<hbm>>
    tpu.enqueue_dma source(%arg16 : memref<2304xi32, #tpu.memory_space<vmem>>) target(%dma_start3A_101 : memref<2304xi32, #tpu.memory_space<hbm>>) target_semaphore(%arg19 : memref<!tpu.dma_semaphore, #tpu.memory_space<semaphore_mem>>)
    %dma_wait3A_102 = arith.constant 0 : i32
    %dma_wait3A_103 = tpu.memref_slice %arg4[%add3A_48, %dma_wait3A_102] : memref<64x2304xf32, #tpu.memory_space<hbm>> -> memref<1x2304xf32, #tpu.memory_space<hbm>>
    %dma_wait3A_104 = tpu.memref_squeeze %dma_wait3A_103 : memref<1x2304xf32, #tpu.memory_space<hbm>> -> memref<2304xf32, #tpu.memory_space<hbm>>
    %dma_wait3A_105 = arith.constant 0 : i32
    %dma_wait3A_106 = tpu.memref_slice %arg4[%add3A_48, %dma_wait3A_105] : memref<64x2304xf32, #tpu.memory_space<hbm>> -> memref<1x2304xf32, #tpu.memory_space<hbm>>
    %dma_wait3A_107 = tpu.memref_squeeze %dma_wait3A_106 : memref<1x2304xf32, #tpu.memory_space<hbm>> -> memref<2304xf32, #tpu.memory_space<hbm>>
    tpu.wait_dma2 semaphore(%arg19 : memref<!tpu.dma_semaphore, #tpu.memory_space<semaphore_mem>>) src(%arg11 : memref<2304xf32, #tpu.memory_space<vmem>>) dst(%dma_wait3A_107 : memref<2304xf32, #tpu.memory_space<hbm>>)
    %dma_wait3A_108 = arith.constant 0 : i32
    %dma_wait3A_109 = tpu.memref_slice %arg5[%add3A_48, %dma_wait3A_108] : memref<64x2304xf32, #tpu.memory_space<hbm>> -> memref<1x2304xf32, #tpu.memory_space<hbm>>
    %dma_wait3A_110 = tpu.memref_squeeze %dma_wait3A_109 : memref<1x2304xf32, #tpu.memory_space<hbm>> -> memref<2304xf32, #tpu.memory_space<hbm>>
    %dma_wait3A_111 = arith.constant 0 : i32
    %dma_wait3A_112 = tpu.memref_slice %arg5[%add3A_48, %dma_wait3A_111] : memref<64x2304xf32, #tpu.memory_space<hbm>> -> memref<1x2304xf32, #tpu.memory_space<hbm>>
    %dma_wait3A_113 = tpu.memref_squeeze %dma_wait3A_112 : memref<1x2304xf32, #tpu.memory_space<hbm>> -> memref<2304xf32, #tpu.memory_space<hbm>>
    tpu.wait_dma2 semaphore(%arg19 : memref<!tpu.dma_semaphore, #tpu.memory_space<semaphore_mem>>) src(%arg13 : memref<2304xf32, #tpu.memory_space<vmem>>) dst(%dma_wait3A_113 : memref<2304xf32, #tpu.memory_space<hbm>>)
    %dma_wait3A_114 = arith.constant 0 : i32
    %dma_wait3A_115 = tpu.memref_slice %arg6[%add3A_48, %dma_wait3A_114] : memref<64x2304xi32, #tpu.memory_space<hbm>> -> memref<1x2304xi32, #tpu.memory_space<hbm>>
    %dma_wait3A_116 = tpu.memref_squeeze %dma_wait3A_115 : memref<1x2304xi32, #tpu.memory_space<hbm>> -> memref<2304xi32, #tpu.memory_space<hbm>>
    %dma_wait3A_117 = arith.constant 0 : i32
    %dma_wait3A_118 = tpu.memref_slice %arg6[%add3A_48, %dma_wait3A_117] : memref<64x2304xi32, #tpu.memory_space<hbm>> -> memref<1x2304xi32, #tpu.memory_space<hbm>>
    %dma_wait3A_119 = tpu.memref_squeeze %dma_wait3A_118 : memref<1x2304xi32, #tpu.memory_space<hbm>> -> memref<2304xi32, #tpu.memory_space<hbm>>
    tpu.wait_dma2 semaphore(%arg19 : memref<!tpu.dma_semaphore, #tpu.memory_space<semaphore_mem>>) src(%arg15 : memref<2304xi32, #tpu.memory_space<vmem>>) dst(%dma_wait3A_119 : memref<2304xi32, #tpu.memory_space<hbm>>)
    %dma_wait3A_120 = arith.constant 0 : i32
    %dma_wait3A_121 = tpu.memref_slice %arg4[%add3A_83, %dma_wait3A_120] : memref<64x2304xf32, #tpu.memory_space<hbm>> -> memref<1x2304xf32, #tpu.memory_space<hbm>>
    %dma_wait3A_122 = tpu.memref_squeeze %dma_wait3A_121 : memref<1x2304xf32, #tpu.memory_space<hbm>> -> memref<2304xf32, #tpu.memory_space<hbm>>
    %dma_wait3A_123 = arith.constant 0 : i32
    %dma_wait3A_124 = tpu.memref_slice %arg4[%add3A_83, %dma_wait3A_123] : memref<64x2304xf32, #tpu.memory_space<hbm>> -> memref<1x2304xf32, #tpu.memory_space<hbm>>
    %dma_wait3A_125 = tpu.memref_squeeze %dma_wait3A_124 : memref<1x2304xf32, #tpu.memory_space<hbm>> -> memref<2304xf32, #tpu.memory_space<hbm>>
    tpu.wait_dma2 semaphore(%arg19 : memref<!tpu.dma_semaphore, #tpu.memory_space<semaphore_mem>>) src(%arg12 : memref<2304xf32, #tpu.memory_space<vmem>>) dst(%dma_wait3A_125 : memref<2304xf32, #tpu.memory_space<hbm>>)
    %dma_wait3A_126 = arith.constant 0 : i32
    %dma_wait3A_127 = tpu.memref_slice %arg5[%add3A_83, %dma_wait3A_126] : memref<64x2304xf32, #tpu.memory_space<hbm>> -> memref<1x2304xf32, #tpu.memory_space<hbm>>
    %dma_wait3A_128 = tpu.memref_squeeze %dma_wait3A_127 : memref<1x2304xf32, #tpu.memory_space<hbm>> -> memref<2304xf32, #tpu.memory_space<hbm>>
    %dma_wait3A_129 = arith.constant 0 : i32
    %dma_wait3A_130 = tpu.memref_slice %arg5[%add3A_83, %dma_wait3A_129] : memref<64x2304xf32, #tpu.memory_space<hbm>> -> memref<1x2304xf32, #tpu.memory_space<hbm>>
    %dma_wait3A_131 = tpu.memref_squeeze %dma_wait3A_130 : memref<1x2304xf32, #tpu.memory_space<hbm>> -> memref<2304xf32, #tpu.memory_space<hbm>>
    tpu.wait_dma2 semaphore(%arg19 : memref<!tpu.dma_semaphore, #tpu.memory_space<semaphore_mem>>) src(%arg14 : memref<2304xf32, #tpu.memory_space<vmem>>) dst(%dma_wait3A_131 : memref<2304xf32, #tpu.memory_space<hbm>>)
    %dma_wait3A_132 = arith.constant 0 : i32
    %dma_wait3A_133 = tpu.memref_slice %arg6[%add3A_83, %dma_wait3A_132] : memref<64x2304xi32, #tpu.memory_space<hbm>> -> memref<1x2304xi32, #tpu.memory_space<hbm>>
    %dma_wait3A_134 = tpu.memref_squeeze %dma_wait3A_133 : memref<1x2304xi32, #tpu.memory_space<hbm>> -> memref<2304xi32, #tpu.memory_space<hbm>>
    %dma_wait3A_135 = arith.constant 0 : i32
    %dma_wait3A_136 = tpu.memref_slice %arg6[%add3A_83, %dma_wait3A_135] : memref<64x2304xi32, #tpu.memory_space<hbm>> -> memref<1x2304xi32, #tpu.memory_space<hbm>>
    %dma_wait3A_137 = tpu.memref_squeeze %dma_wait3A_136 : memref<1x2304xi32, #tpu.memory_space<hbm>> -> memref<2304xi32, #tpu.memory_space<hbm>>
    tpu.wait_dma2 semaphore(%arg19 : memref<!tpu.dma_semaphore, #tpu.memory_space<semaphore_mem>>) src(%arg16 : memref<2304xi32, #tpu.memory_space<vmem>>) dst(%dma_wait3A_137 : memref<2304xi32, #tpu.memory_space<hbm>>)
    return
  }
}

</mosaic_0001>

<sc_bundles>
// kernel: kernel.3.cloned.1.call-start
scs
__scs_entry_jumppad:
0x0: {  	(pc) =	sbr.rel $0x88, $3  }
0x1: {  	(tag) =	ssettag $0x0;
	lr =	simm.s32 $0x1  }
0x2: {  	[smem:$0x3F9F] =	sst lr;
	_ =	strace $0xD0000000  }
0x3: {  	_ = 	snop  }
0x4: {  	_ = 	snop  }
0x5: {  	_ = 	snop  }
0x6: {  	_ = 	snop  }
0x7: {  	_ = 	snop  }
__scs_overlays_trampoline_lowered:
0x8: {  	[smem:$0x3FAE] =	sst s0  }
0x9: {  	[smem:$0x3FAF] =	sst s1  }
0xa: {  	[smem:$0x3FB0] =	sst s2  }
0xb: {  	[smem:$0x3FB1] =	sst s3  }
0xc: {  	[smem:$0x3FB2] =	sst s4  }
0xd: {  	[smem:$0x3FB3] =	sst s5  }
0xe: {  	[smem:$0x3FB4] =	sst s6  }
0xf: {  	[smem:$0x3FB5] =	sst s7  }
0x10: {  	[smem:$0x3FB6] =	sst s8  }
0x11: {  	[smem:$0x3FB7] =	sst s9;
	s0 =	simm.s32 @!p0 $0x0  }
0x12: {  	s1 =	sld [smem:$0x3F9D];
	s0 =	simm.s32 @p0 $0x1  }
0x13: {  	[smem:$0x3FB8] =	sst s0;
	s0 =	simm.s32 @!p1 $0x0  }
0x14: {  	s2 =	sld [smem:$0x3F9C];
	s0 =	simm.s32 @p1 $0x1  }
0x15: {  	[smem:$0x3FB9] =	sst s0;
	s0 =	simm.s32 @!p2 $0x0  }
0x16: {  	s3 =	sld [smem:$0x3FDB];
	s0 =	simm.s32 @p2 $0x1  }
0x17: {  	s4 =	simm.s32 $0x1BF5;
	[smem:$0x3FBB] =	sst s0  }
0x18: {  	s0 =	sld [smem:$0x3F9E];
	_ =	swait.ge [sflag:s4], $0x0  }
0x19: {  	s7 =	sld [smem:$0x3F9F]  }
0x1a: {  	s8 =	sadd.s32 $0xFFFFE003, lr  }
0x1b: {  	s9 =	sadd.s32 $0xFFFFFEF7, lr;
	s5 =	simm.s32 $0xFFFFFFFF;
	p2 =	slt.u32 s8, $0xFFFFF086  }
0x1c: {  	p1 =	slt.u32 s9, $0xF7A;
	s5 =	simm.s32 @!p2 $0x0  }
0x1d: {  	s5 =	simm.s32 @p1 $0x1;
	p0 =	seq.s32 s7, s2  }
0x1e: {  	s7 =	smul.u32 @!p0 $0xF7A, s2;
	p2 =	seq.s32 @!p0 s5, $0x0  }
0x1f: {  	s9 =	smul.u32 $0xF7A, s1;
	s8 =	simm.s32 @!p0 $0x1BF5;
	p2 =	por !p2, p0  }
0x20: {  	[sflag:s8] =	ssyncset.s32 @!p0 $0xFFFFF086;
	s6 =	sadd.s32 @!p0 s3, s7;
	s7 =	simm.s32 @!p0 $0x108  }
0x21: {  	s3 =	sadd.s32 s3, s9;
	s6 =	sadd.s32 @!p0 $0x88, s6;
	s7 =	simm.s32 @p2 $0x1082  }
0x22: {  	[simem:s7], [sflag:s8] =	dma.local @!p0 [hbm:s6], $0xF7A  }
0x23: {  	s9 =	sor.u32 $0xD0000000, s2;
	s6 =	simm.s32 $0x108;
	_ =	swait.ge @!p0 [sflag:s8], $0x0  }
0x24: {  	s3 =	sadd.s32 $0x88, s3;
	s6 =	simm.s32 @!p1 $0x1082;
	[sflag:s4] =	ssyncset.s32 $0xFFFFF086  }
0x25: {  	[simem:s6], [sflag:s4] =	dma.local [hbm:s3], $0xF7A  }
0x26: {  	[smem:$0x3F9F] =	sst s1;
	(tag) =	ssettag s2;
	_ =	strace s9  }
0x27: {  	s1 =	sld [smem:$0x3FAF]  }
0x28: {  	s2 =	sld [smem:$0x3FB0]  }
0x29: {  	s4 =	sld [smem:$0x3FB2]  }
0x2a: {  	p0 =	seq.s32 s5, $0x0;
	s5 =	sld [smem:$0x3FB3]  }
0x2b: {  	s6 =	sld [smem:$0x3FB4]  }
0x2c: {  	s7 =	sld [smem:$0x3FB5]  }
0x2d: {  	s3 =	simm.s32 $0x108;
	s8 =	sld [smem:$0x3FB6]  }
0x2e: {  	s3 =	simm.s32 @!p0 $0x1082;
	s9 =	sld [smem:$0x3FB7]  }
0x2f: {  	lr =	sadd.s32 s0, s3;
	s0 =	sld [smem:$0x3FAE]  }
0x30: {  	s3 =	sld [smem:$0x3FB1]  }
0x31: {  	[smem:$0x3FBA] =	sst s10  }
0x32: {  	s10 =	sld [smem:$0x3FB8];
	_ =	sdelay $0x3  }
0x33: {  	p0 =	seq.s32 s10, $0x1;
	s10 =	sld [smem:$0x3FBA];
	_ =	sdelay $0x3  }
0x34: {  	[smem:$0x3FBA] =	sst s10  }
0x35: {  	s10 =	sld [smem:$0x3FB9];
	_ =	sdelay $0x3  }
0x36: {  	p1 =	seq.s32 s10, $0x1;
	s10 =	sld [smem:$0x3FBA];
	_ =	sdelay $0x3  }
0x37: {  	[smem:$0x3FBA] =	sst s10  }
0x38: {  	s10 =	sld [smem:$0x3FBB]  }
0x39: {  	_ = 	snop;
	(pc) =	sbr.ind lr, $3  }
0x3a: {  	_ = 	snop  }
0x3b: {  	_ = 	snop  }
0x3c: {  	p2 =	seq.s32 s10, $0x1;
	s10 =	sld [smem:$0x3FBA]  }
0x3d: {  	_ =	shalt  }
0x3e: {  	_ =	shalt  }
0x3f: {  	_ =	shalt  }
0x40: {  	_ =	shalt  }
0x41: {  	_ =	shalt  }
0x42: {  	_ =	shalt  }
0x43: {  	_ =	shalt  }
0x44: {  	_ =	shalt  }
0x45: {  	_ =	shalt  }
0x46: {  	_ =	shalt  }
0x47: {  	_ =	shalt  }
0x48: {  	_ =	shalt  }
0x49: {  	_ =	shalt  }
0x4a: {  	_ =	shalt  }
0x4b: {  	_ =	shalt  }
0x4c: {  	_ =	shalt  }
0x4d: {  	_ =	shalt  }
0x4e: {  	_ =	shalt  }
0x4f: {  	_ =	shalt  }
0x50: {  	_ =	shalt  }
0x51: {  	_ =	shalt  }
0x52: {  	_ =	shalt  }
0x53: {  	_ =	shalt  }
0x54: {  	_ =	shalt  }
0x55: {  	_ =	shalt  }
0x56: {  	_ =	shalt  }
0x57: {  	_ =	shalt  }
0x58: {  	_ =	shalt  }
0x59: {  	_ =	shalt  }
0x5a: {  	_ =	shalt  }
0x5b: {  	_ =	shalt  }
0x5c: {  	_ =	shalt  }
0x5d: {  	_ =	shalt  }
0x5e: {  	_ =	shalt  }
0x5f: {  	_ =	shalt  }
0x60: {  	_ =	shalt  }
0x61: {  	_ =	shalt  }
0x62: {  	_ =	shalt  }
0x63: {  	_ =	shalt  }
0x64: {  	_ =	shalt  }
0x65: {  	_ =	shalt  }
0x66: {  	_ =	shalt  }
0x67: {  	_ =	shalt  }
0x68: {  	_ =	shalt  }
0x69: {  	_ =	shalt  }
0x6a: {  	_ =	shalt  }
0x6b: {  	_ =	shalt  }
0x6c: {  	_ =	shalt  }
0x6d: {  	_ =	shalt  }
0x6e: {  	_ =	shalt  }
0x6f: {  	_ =	shalt  }
0x70: {  	_ =	shalt  }
0x71: {  	_ =	shalt  }
0x72: {  	_ =	shalt  }
0x73: {  	_ =	shalt  }
0x74: {  	_ =	shalt  }
0x75: {  	_ =	shalt  }
0x76: {  	_ =	shalt  }
0x77: {  	_ =	shalt  }
0x78: {  	_ =	shalt  }
0x79: {  	_ =	shalt  }
0x7a: {  	_ =	shalt  }
0x7b: {  	_ =	shalt  }
0x7c: {  	_ =	shalt  }
0x7d: {  	_ =	shalt  }
0x7e: {  	_ =	shalt  }
0x7f: {  	_ =	shalt  }
0x80: {  	_ =	shalt  }
0x81: {  	_ =	shalt  }
0x82: {  	_ =	shalt  }
0x83: {  	_ =	shalt  }
0x84: {  	_ =	shalt  }
0x85: {  	_ =	shalt  }
0x86: {  	_ =	shalt  }
0x87: {  	_ =	shalt  }
.Lfunc_end0:
.L_simem_size_0:
called_computation_lowered:
.L_overlay_start_0:
0x88: {  	s2 =	sld [smem:$0x3FD9]  }
0x89: {  	s3 =	sld [smem:$0x3FFE];
	_ =	sdelay $0x1  }
0x8a: {  	s1 =	srdreg.scid  }
0x8b: {  	s0 =	sand.u32 $0x1, s1  }
0x8c: {  	s14 =	sshll.u32 s0, $0xA;
	s2 =	sadd.s32 s3, s2  }
0x8d: {  	s2 =	sadd.s32 s2, s14  }
0x8e: {  	[smem:$0x3FC6] =	sst s2  }
0x8f: {  	_ = 	snop  }
0x90: {  	s2 =	sld [smem:$0x3FD0];
	_ =	sdelay $0x2  }
0x91: {  	s15 =	simm.s32 $0xA;
	s4 =	simm.s32 $0x10  }
0x92: {  	[smem:s4], [sflag:s15] =	dma.local [hbm:s2], $0x1  }
0x93: {  	_ =	swait.eq [sflag:s15], $0x1  }
0x94: {  	[sflag:s15] =	ssyncset.done $0x0  }
0x95: {  	s16 =	sld [smem:$0x11];
	[sflag:s15] =	ssyncadd.s32 $0xFFFFFFFF  }
0x96: {  	s17 =	sld [smem:$0x12];
	(tm) =	ssettm $0x1  }
0x97: {  	s18 =	sld [smem:$0x3FFB];
	_ =	sdelay $0x3  }
0x98: {  	_ =	strace s18  }
0x99: {  	s4 =	sld [smem:$0x3FFC];
	_ =	sdelay $0x3  }
0x9a: {  	_ =	strace s4  }
0x9b: {  	s4 =	sld [smem:$0x3FFD];
	_ =	sdelay $0x3  }
0x9c: {  	_ =	strace s4  }
0x9d: {  	_ =	strace $0x8FFFFFFF  }
0x9e: {  	s19 =	sld [smem:$0x3FDB];
	_ =	sdelay $0x1  }
0x9f: {  	s5 =	simm.s32 $_scs_section_size  }
0xa0: {  	s6 =	simm.s32 $_size__tile_overlayer_lowered;
	s7 =	simm.s32 $_tile_overlayer_lowered  }
0xa1: {  	s22 =	simm.s32 $0x1BFF;
	s21 =	sshll.u32 s7, $0x1;
	s4 =	sadd.s32 s5, s19  }
0xa2: {  	s8 =	simm.s32 $0x0;
	s20 =	sshll.u32 s6, $0x1;
	s6 =	sadd.s32 s21, s4  }
0xa3: {  	[timem:s8], [sflag:s22] =	dma.local [hbm:s6], s20  }
0xa4: {  	_ =	swait.ge [sflag:s22], s20  }
0xa5: {  	s5 =	ssub.s32 $0x0, s20;
	[sflag:s22] =	ssyncset.done $0x0  }
0xa6: {  	[sflag:s22] =	ssyncadd.s32 s5;
	_ =	sdelay $0x1  }
0xa7: {  	s23 =	simm.s32 $0x1B8B  }
0xa8: {  	_ =	swait.ge [sflag:s23], $0x1  }
0xa9: {  	[sflag:s23] =	ssyncset.done $0x0  }
0xaa: {  	s25 =	simm.s32 $0x1B8E;
	s24 =	sld [smem:$0x3FFE];
	[sflag:s23] =	ssyncadd.s32 $0xFFFFFFFF  }
0xab: {  	s26 =	simm.s32 $execute0_lowered;
	[smem:$0x3FD2] =	sst s25  }
0xac: {  	s6 =	sshll.u32 s26, $0x1;
	_ =	strace $0x80000046;
	[dreg:$0x1] =	wrdreg $0xFFFFFFFF  }
0xad: {  	s28 =	simm.s32 $_size_execute0_lowered;
	s4 =	sadd.s32 s4, s6;
	[dreg:$0x0] =	wrdreg $0x0  }
0xae: {  	s6 =	sshll.u32 s28, $0x1;
	[dreg:$0x2] =	wrdreg s4  }
0xaf: {  	[dreg:$0x3] =	wrdreg s6  }
0xb0: {  	[dreg:$0x4] =	wrdreg $0xC0  }
0xb1: {  	_ =	task [dreg:s8], $0x5FFFF  }
0xb2: {  	[dreg:$0x1] =	wrdreg $0xFFFFFFFF  }
0xb3: {  	[dreg:$0x0] =	wrdreg $0x60  }
0xb4: {  	[dreg:$0x2] =	wrdreg s16  }
0xb5: {  	[dreg:$0x3] =	wrdreg s17  }
0xb6: {  	[dreg:$0x4] =	wrdreg s24  }
0xb7: {  	[dreg:$0x5] =	wrdreg $0x9  }
0xb8: {  	_ =	task.clear_ibuf [dreg:s8], $0x6FFFF;
	_ =	strace $0x90000046  }
0xb9: {  	s29 =	simm.s32 $0x9;
	_ =	strace $0x80000048  }
0xba: {  	_ =	swait.ge [sflag:s29], $0x1  }
0xbb: {  	[sflag:s29] =	ssyncadd.s32 $0xFFFFFFFF  }
0xbc: {  	_ =	strace $0x90000048  }
0xbd: {  	_ =	sfence  }
0xbe: {  	s30 =	sld [smem:$0x0];
	_ =	sdelay $0x2  }
0xbf: {  	s31 =	sshll.u32 s1, $0xD;
	s1 =	sshrl.u32 s1, $0x2  }
0xc0: {  	s3 =	sand.u32 $0x4000, s31;
	s1 =	sadd.s32 s1, s30  }
0xc1: {  	s0 =	sor.u32 s3, s0;
	s1 =	sshll.u32 s1, $0x11  }
0xc2: {  	s0 =	sor.u32 s1, s0  }
0xc3: {  	s0 =	sadd.s32 $0x8F2B, s0  }
0xc4: {  	[sflag:s0] =	ssyncadd.remote.s32 $0x1  }
0xc5: {  	_ =	sfence.sel $0xFFFF  }
0xc6: {  	[dreg:$0x0] =	wrdreg $0xFFFFFFFF;
	(pc) =	sbr.abs _section_cstart, $3  }
0xc7: {  	[dreg:$0x1] =	wrdreg $0xFFFFFFFF  }
0xc8: {  	_ =	task.clear_ibuf [dreg:s8], $0x2FFFF;
	_ =	strace $0x9FFFFFFF  }
0xc9: {  	(tm) =	ssettm $0x7FFFFFFF  }
tec
execute0_lowered:
.L_overlay_start_1:
0x0: {  	(tag) =	ssettag $0x1  }
0x1: {  	s0 =	rddreg [dreg:$0x0]  }
0x2: {  	s1 =	rddreg [dreg:$0x1]  }
0x3: {  	s10 =	rddreg [dreg:$0x2];
	s2 =	simm.s32 $0x0  }
0x4: {  	s3 =	srdreg.scid;
	s5 =	stileid.u32;
	s15 =	simm.s32 $0x1200  }
0x5: {  	s17 =	simm.s32 $0x2280;
	s18 =	simm.s32 $0x1;
	s19 =	simm.s32 $0x80  }
0x6: {  	s20 =	simm.s32 $0x3300;
	s21 =	simm.s32 $0x4500;
	s22 =	simm.s32 $0x5700  }
0x7: {  	s23 =	simm.s32 $0x2;
	s24 =	simm.s32 $0x3C00;
	s25 =	simm.s32 $0x4E00  }
0x8: {  	s28 =	simm.s32 $0x3;
	s29 =	simm.s32 $0x0;
	[smem:$0x7FF] =	sst s2  }
0x9: {  	s3 =	sand.u32 $0x1, s3;
	s4 =	sshll.u32 s5, $0x9;
	s5 =	sshrl.u32 s5, $0x1  }
0xa: {  	s11 =	sadd.s32 $0x4800, s10;
	s12 =	sadd.s32 $0x9000, s10;
	s6 =	sshll.u32 s3, $0x8  }
0xb: {  	s7 =	smul.u32 $0x4800, s5;
	s4 =	sand.u32 $0x200, s4;
	s3 =	ssub.s32 $0x2, s3  }
0xc: {  	s5 =	smul.u32 $0x8400, s5;
	s4 =	sor.u32 s6, s4;
	s26 =	sshrl.u32 s3, $0x1  }
0xd: {  	_ =	strace $0x80000047;
	s8 =	sor.u32 s7, s4;
	s13 =	ssub.s32 s3, s26  }
0xe: {  	s30 =	sor.u32 s5, s4;
	s4 =	sor.u32 $0x80, s4;
	s26 =	simm.s32 $0x6000  }
0xf: {  	s9 =	sshrl.u32 s8, $0x3;
	s6 =	sshrl.u32 s30, $0x3;
	s7 =	sor.u32 s7, s4  }
0x10: {  	s5 =	sor.u32 s5, s4;
	s13 =	smax.u32 s13, $0x1;
	s3 =	sadd.s32 s0, s9  }
0x11: {  	s4 =	sadd.s32 s1, s6;
	s14 =	sshrl.u32 s7, $0x3;
	s31 =	sshrl.u32 s5, $0x3  }
0x12: {  	s7 =	sadd.s32 s10, s9;
	s8 =	sadd.s32 s11, s9;
	s9 =	sadd.s32 s12, s9  }
0x13: {  	s5 =	sadd.s32 s0, s14;
	s6 =	sadd.s32 s1, s31;
	s10 =	sadd.s32 s10, s14  }
0x14: {  	v0 =	vimm.s32 $0x30F;
	v47 =	vimm.s32 $0x0;
	s11 =	sadd.s32 s11, s14;
	s12 =	sadd.s32 s12, s14;
	s14 =	simm.s32 $0x400  }
.LBB2_1:
0x15: {  	[tilespmem:s2], [sflag:$0x1] =	stream.strided.gather [hbm4b:s3+s19], $0x900, s14, s19, $0x38;
	[tilespmem:$0x6900] =	vst v63  }
0x16: {  	_ = 	snop  }
0x17: {  	[tilespmem:s15], [sflag:$0x1] =	stream.strided.gather [hbm4b:s4+s19], $0x1080, s14, s19, $0x38;
	[tilespmem:$0x6900] =	vst v63  }
0x18: {  	s0 =	simm.s32 $0x900  }
0x19: {  	[tilespmem:s0], [sflag:$0x2] =	stream.strided.gather [hbm4b:s5+s19], $0x900, s14, s19, $0x38;
	[tilespmem:$0x6900] =	vst v63  }
0x1a: {  	_ = 	snop  }
0x1b: {  	[tilespmem:s17], [sflag:$0x2] =	stream.strided.gather [hbm4b:s6+s19], $0x1080, s14, s19, $0x38;
	[tilespmem:$0x6900] =	vst v63  }
0x1c: {  	_ =	swait.ge [sflag:s18], $0x900  }
0x1d: {  	[sflag:s18] =	ssyncset.done $0x0  }
0x1e: {  	[sflag:s18] =	ssyncadd.s32 $0xFFFFF700  }
0x1f: {  	s30 =	simm.s32 $0xFFFFFFF0;
	_ =	swait.ge [sflag:s18], $0x1080  }
0x20: {  	s31 =	simm.s32 $0x5780;
	s1 =	simm.s32 $0x3380;
	[sflag:s18] =	ssyncset.done $0x0  }
0x21: {  	s16 =	simm.s32 $0x80;
	s0 =	simm.s32 $0x4580;
	[sflag:s18] =	ssyncadd.s32 $0xFFFFEF80  }
.LBB2_2:
0x22: {  	_ =	sdelay $0x2  }
0x23: {  	v4 =	vld [tilespmem:s16+$0xFFFFFF80]  }
0x24: {  	v6 =	vld.idx.msk [tilespmem:v0+s15+$0x0], $0xffff;
	_ =	sdelay $0x4  }
0x25: {  	vm0 =	vlt.f32 v6, v4  }
0x26: {  	v2 =	vsel vm0, $0x100, v47  }
0x27: {  	v3 =	vor.u32 $0x28F, v2;
	_ =	sdelay $0x4  }
0x28: {  	v3 =	vld.idx.msk [tilespmem:v3+s15+$0x0], $0xffff;
	_ =	sdelay $0x4  }
0x29: {  	vm14 =	vlt.f32 v3, v4;
	v3 =	vor.u32 $0x80, v2  }
0x2a: {  	v2 =	vsel vm14, v3, v2  }
0x2b: {  	v3 =	vld [tilespmem:s16+$0xFFFFFF90];
	v5 =	vor.u32 $0x24F, v2;
	_ =	sdelay $0x4  }
0x2c: {  	vm15 =	vlt.f32 v6, v3;
	v5 =	vld.idx.msk [tilespmem:v5+s15+$0x0], $0xffff  }
0x2d: {  	v7 =	vsel vm15, $0x100, v47  }
0x2e: {  	v8 =	vor.u32 $0x28F, v7;
	_ =	sdelay $0x2  }
0x2f: {  	v61 =	vor.u32 $0x40, v2;
	vm4 =	vlt.f32 v5, v4  }
0x30: {  	v2 =	vsel vm4, v61, v2  }
0x31: {  	v8 =	vld.idx.msk [tilespmem:v8+s15+$0x0], $0xffff;
	v5 =	vor.u32 $0x22F, v2;
	_ =	sdelay $0x4  }
0x32: {  	v62 =	vor.u32 $0x80, v7;
	vm5 =	vlt.f32 v8, v3;
	v9 =	vld.idx.msk [tilespmem:v5+s15+$0x0], $0xffff  }
0x33: {  	v7 =	vsel vm5, v62, v7  }
0x34: {  	v5 =	vld [tilespmem:s16+$0xFFFFFFA0];
	v63 =	vor.u32 $0x24F, v7;
	_ =	sdelay $0x2  }
0x35: {  	v12 =	vor.u32 $0x20, v2;
	vm6 =	vlt.f32 v9, v4  }
0x36: {  	v2 =	vsel vm6, v12, v2  }
0x37: {  	vm7 =	vlt.f32 v6, v5;
	v8 =	vld.idx.msk [tilespmem:v63+s15+$0x0], $0xffff;
	v9 =	vadd.s32 $0x21F, v2  }
0x38: {  	v10 =	vsel vm7, $0x100, v47  }
0x39: {  	v11 =	vor.u32 $0x28F, v10;
	_ =	sdelay $0x2  }
0x3a: {  	v13 =	vor.u32 $0x40, v7;
	vm8 =	vlt.f32 v8, v3;
	v9 =	vld.idx.msk [tilespmem:v9+s15+$0x0], $0xffff  }
0x3b: {  	v7 =	vsel vm8, v13, v7  }
0x3c: {  	v11 =	vld.idx.msk [tilespmem:v11+s15+$0x0], $0xffff;
	v8 =	vor.u32 $0x22F, v7;
	_ =	sdelay $0x2  }
0x3d: {  	v14 =	vadd.s32 $0x10, v2;
	vm9 =	vlt.f32 v9, v4  }
0x3e: {  	v2 =	vsel vm9, v14, v2  }
0x3f: {  	v15 =	vor.u32 $0x80, v10;
	vm10 =	vlt.f32 v11, v5;
	v8 =	vld.idx.msk [tilespmem:v8+s15+$0x0], $0xffff;
	v9 =	vadd.s32 $0x217, v2  }
0x40: {  	v10 =	vsel vm10, v15, v10  }
0x41: {  	v11 =	vor.u32 $0x24F, v10  }
0x42: {  	v33 =	vld [tilespmem:s16+$0xFFFFFFB0];
	_ =	sdelay $0x1  }
0x43: {  	v16 =	vor.u32 $0x20, v7;
	vm11 =	vlt.f32 v8, v3;
	v9 =	vld.idx.msk [tilespmem:v9+s15+$0x0], $0xffff  }
0x44: {  	v7 =	vsel vm11, v16, v7  }
0x45: {  	v11 =	vld.idx.msk [tilespmem:v11+s15+$0x0], $0xffff;
	v8 =	vadd.s32 $0x21F, v7  }
0x46: {  	vm12 =	vlt.f32 v6, v33  }
0x47: {  	v12 =	vsel vm12, $0x100, v47  }
0x48: {  	v18 =	vor.u32 $0x28F, v12;
	v17 =	vadd.s32 $0x8, v2;
	vm1 =	vlt.f32 v9, v4  }
0x49: {  	v2 =	vsel vm1, v17, v2  }
0x4a: {  	v19 =	vor.u32 $0x40, v10;
	vm13 =	vlt.f32 v11, v5;
	v8 =	vld.idx.msk [tilespmem:v8+s15+$0x0], $0xffff;
	v13 =	vadd.s32 $0x213, v2  }
0x4b: {  	v10 =	vsel vm13, v19, v10  }
0x4c: {  	v11 =	vor.u32 $0x22F, v10  }
0x4d: {  	v9 =	vld.idx.msk [tilespmem:v18+s15+$0x0], $0xffff;
	_ =	sdelay $0x1  }
0x4e: {  	v20 =	vadd.s32 $0x10, v7;
	vm14 =	vlt.f32 v8, v3;
	v13 =	vld.idx.msk [tilespmem:v13+s15+$0x0], $0xffff  }
0x4f: {  	v8 =	vsel vm14, v20, v7;
	v7 =	vld [tilespmem:s16+$0xFFFFFFC0]  }
0x50: {  	v11 =	vld.idx.msk [tilespmem:v11+s15+$0x0], $0xffff  }
0x51: {  	v21 =	vor.u32 $0x80, v12;
	vm15 =	vlt.f32 v9, v33  }
0x52: {  	v22 =	vadd.s32 $0x4, v2;
	v12 =	vsel vm15, v21, v12  }
0x53: {  	v25 =	vor.u32 $0x20, v10;
	v23 =	vor.u32 $0x24F, v12;
	vm4 =	vlt.f32 v13, v4  }
0x54: {  	v14 =	vadd.s32 $0x217, v8;
	vm6 =	vlt.f32 v6, v7;
	v2 =	vsel vm4, v22, v2  }
0x55: {  	vm5 =	vlt.f32 v11, v5;
	v15 =	vsel vm6, $0x100, v47;
	v24 =	vadd.s32 $0x211, v2  }
0x56: {  	v10 =	vsel vm5, v25, v10;
	v16 =	vor.u32 $0x28F, v15  }
0x57: {  	v11 =	vadd.s32 $0x21F, v10  }
0x58: {  	v9 =	vld.idx.msk [tilespmem:v23+s15+$0x0], $0xffff  }
0x59: {  	v14 =	vld.idx.msk [tilespmem:v14+s15+$0x0], $0xffff  }
0x5a: {  	v13 =	vld.idx.msk [tilespmem:v24+s15+$0x0], $0xffff  }
0x5b: {  	v29 =	vld.idx.msk [tilespmem:v16+s15+$0x0], $0xffff  }
0x5c: {  	v27 =	vor.u32 $0x40, v12;
	v26 =	vadd.s32 $0x8, v8;
	v11 =	vld.idx.msk [tilespmem:v11+s15+$0x0], $0xffff  }
0x5d: {  	v28 =	vadd.s32 $0x2, v2;
	v32 =	vadd.s32 $0x10, v10;
	vm8 =	vlt.f32 v9, v33  }
0x5e: {  	v34 =	vor.u32 $0x80, v15;
	vm7 =	vlt.f32 v14, v3;
	v12 =	vsel vm8, v27, v12  }
0x5f: {  	v8 =	vsel vm7, v26, v8;
	v30 =	vor.u32 $0x22F, v12;
	vm9 =	vlt.f32 v13, v4  }
0x60: {  	v9 =	vld [tilespmem:s16+$0xFFFFFFD0];
	v14 =	vadd.s32 $0x213, v8;
	vm11 =	vlt.f32 v29, v7;
	v2 =	vsel vm9, v28, v2  }
0x61: {  	vm10 =	vlt.f32 v11, v5;
	v15 =	vsel vm11, v34, v15;
	v31 =	vadd.s32 $0x210, v2  }
0x62: {  	v10 =	vsel vm10, v32, v10;
	v17 =	vor.u32 $0x24F, v15  }
0x63: {  	v11 =	vadd.s32 $0x217, v10  }
0x64: {  	v13 =	vld.idx.msk [tilespmem:v30+s15+$0x0], $0xffff  }
0x65: {  	vm15 =	vlt.f32 v6, v9;
	v14 =	vld.idx.msk [tilespmem:v14+s15+$0x0], $0xffff  }
0x66: {  	v18 =	vsel vm15, $0x100, v47;
	v16 =	vld.idx.msk [tilespmem:v31+s15+$0x0], $0xffff  }
0x67: {  	v40 =	vor.u32 $0x28F, v18;
	v37 =	vld.idx.msk [tilespmem:v17+s15+$0x0], $0xffff  }
0x68: {  	v11 =	vld.idx.msk [tilespmem:v11+s15+$0x0], $0xffff  }
0x69: {  	v36 =	vor.u32 $0x20, v12;
	vm13 =	vlt.f32 v13, v33  }
0x6a: {  	v35 =	vadd.s32 $0x4, v8;
	vm12 =	vlt.f32 v14, v3;
	v12 =	vsel vm13, v36, v12  }
0x6b: {  	v42 =	vor.u32 $0x40, v15;
	v8 =	vsel vm12, v35, v8;
	v38 =	vadd.s32 $0x21F, v12  }
0x6c: {  	v17 =	vld.idx.msk [tilespmem:v40+s15+$0x0], $0xffff;
	v14 =	vadd.s32 $0x211, v8;
	vm14 =	vlt.f32 v16, v4;
	vm5 =	vlt.f32 v37, v7  }
0x6d: {  	vm4 =	vlt.f32 v11, v5;
	v39 =	vsel vm14, $0x1, v47;
	v11 =	vsel vm5, v42, v15  }
0x6e: {  	v41 =	vadd.s32 $0x8, v10;
	v2 =	vadd.s32 v39, v2;
	v15 =	vor.u32 $0x22F, v11  }
0x6f: {  	v10 =	vsel vm4, v41, v10;
	v19 =	vadd.s32 $0x210, v2  }
0x70: {  	v16 =	vld.idx.msk [tilespmem:v38+s15+$0x0], $0xffff;
	v43 =	vadd.s32 $0x213, v10  }
0x71: {  	v46 =	vor.u32 $0x80, v18;
	vm8 =	vlt.f32 v17, v9;
	v14 =	vld.idx.msk [tilespmem:v14+s15+$0x0], $0xffff  }
0x72: {  	v17 =	vsel vm8, v46, v18;
	v18 =	vld [tilespmem:s16+$0xFFFFFFE0]  }
0x73: {  	v15 =	vld.idx.msk [tilespmem:v15+s15+$0x0], $0xffff  }
0x74: {  	v19 =	vld.idx.msk [tilespmem:v19+s15+$0x0], $0xffff  }
0x75: {  	v45 =	vadd.s32 $0x10, v12;
	v20 =	vor.u32 $0x24F, v17;
	vm7 =	vlt.f32 v16, v33;
	v13 =	vld.idx.msk [tilespmem:v43+s15+$0x0], $0xffff  }
0x76: {  	v44 =	vadd.s32 $0x2, v8;
	vm6 =	vlt.f32 v14, v3;
	v12 =	vsel vm7, v45, v12  }
0x77: {  	vm12 =	vlt.f32 v6, v18;
	v8 =	vsel vm6, v44, v8;
	v16 =	vadd.s32 $0x217, v12  }
0x78: {  	v49 =	vor.u32 $0x20, v11;
	v54 =	vsel vm12, $0x100, v47;
	v14 =	vadd.s32 $0x210, v8  }
0x79: {  	v23 =	vor.u32 $0x28F, v54;
	vm11 =	vlt.f32 v15, v7;
	vm9 =	vlt.f32 v19, v4  }
0x7a: {  	v52 =	vld.idx.msk [tilespmem:v20+s15+$0x0], $0xffff;
	vm10 =	vlt.f32 v13, v5;
	v13 =	vsel vm11, v49, v11;
	v19 =	vsel vm9, $0x1, v47  }
0x7b: {  	v48 =	vadd.s32 $0x4, v10;
	v1 =	vadd.s32 v19, v2;
	v2 =	vadd.s32 $0x21F, v13  }
0x7c: {  	v21 =	vadd.f32 v4, v4;
	v16 =	vld.idx.msk [tilespmem:v16+s15+$0x0], $0xffff;
	v10 =	vsel vm10, v48, v10  }
0x7d: {  	v14 =	vld.idx.msk [tilespmem:v14+s15+$0x0], $0xffff;
	v51 =	vadd.s32 $0x211, v10  }
0x7e: {  	v50 =	vmul.f32 $1.442695020e+00, v21;
	v23 =	vld.idx.msk [tilespmem:v23+s15+$0x0], $0xffff  }
0x7f: {  	v58 =	vor.u32 $0x40, v17;
	vm15 =	vlt.f32 v52, v9  }
0x80: {  	(erf) = vpow2.f32 v50;
	v55 =	vadd.s32 $0x8, v12;
	v15 =	vsel vm15, v58, v17;
	v2 =	vld.idx.msk [tilespmem:v2+s15+$0x0], $0xffff  }
0x81: {  	v62 =	vor.u32 $0x80, v54;
	v17 =	vor.u32 $0x22F, v15;
	v19 =	vadd.s32 $0x840, v1  }
0x82: {  	v53 =	vadd.s32 $0x420, v1;
	vm14 =	vlt.f32 v16, v33;
	vm13 =	vlt.f32 v14, v3;
	v21 =	vld.idx.msk [tilespmem:v51+s15+$0x0], $0xffff  }
0x83: {  	v12 =	vsel vm14, v55, v12;
	vm6 =	vlt.f32 v23, v18;
	v22 =	vsel vm13, $0x1, v47  }
0x84: {  	v57 =	vadd.s32 $0x213, v12;
	v14 =	vsel vm6, v62, v54;
	v8 =	vadd.s32 v22, v8  }
0x85: {  	v23 =	vld [tilespmem:s16+$0xFFFFFFF0];
	v63 =	vor.u32 $0x24F, v14;
	vm5 =	vlt.f32 v2, v7;
	v2 =	vadd.s32 $0x10, v13  }
0x86: {  	v22 =	vadd.s32 $0x210, v8;
	v56 =	vld.idx.msk [tilespmem:v19+s15+$0x0], $0xffff;
	v2 =	vsel vm5, v2, v13  }
0x87: {  	v59 =	vadd.s32 $0x2, v10;
	v17 =	vld.idx.msk [tilespmem:v17+s15+$0x0], $0xffff;
	vm4 =	vlt.f32 v21, v5;
	v13 =	vadd.s32 $0x217, v2  }
0x88: {  	v24 =	vld.idx.msk [tilespmem:v53+s15+$0x0], $0xffff;
	v21 =	vsel vm4, v59, v10  }
0x89: {  	v29 =	vadd.f32 v3, v3;
	v19 =	vld.idx.msk [tilespmem:v57+s15+$0x0], $0xffff;
	v61 =	vadd.s32 $0x210, v21  }
0x8a: {  	v0 =	vpop (erf);
	v35 =	vld.idx.msk [tilespmem:v63+s15+$0x0], $0xffff  }
0x8b: {  	v31 =	vmul.f32 $1.442695020e+00, v29;
	v30 =	vor.u32 $0x20, v15;
	v22 =	vld.idx.msk [tilespmem:v22+s15+$0x0], $0xffff;
	v60 =	vmul.f32 v56, v0  }
0x8c: {  	v27 =	vadd.s32 $0x4, v12;
	vm10 =	vlt.f32 v6, v23;
	vm9 =	vlt.f32 v17, v9;
	v13 =	vld.idx.msk [tilespmem:v13+s15+$0x0], $0xffff  }
0x8d: {  	v36 =	vsel vm10, $0x100, v47;
	v15 =	vsel vm9, v30, v15;
	v10 =	vadd.f32 v60, v24  }
0x8e: {  	v41 =	vor.u32 $0x40, v14;
	v38 =	vor.u32 $0x28F, v36;
	v34 =	vadd.s32 $0x21F, v15;
	v16 =	vld.idx.msk [tilespmem:v61+s15+$0x0], $0xffff  }
0x8f: {  	v37 =	vadd.s32 $0x8, v2;
	vm8 =	vlt.f32 v19, v33;
	(erf) = vrcp.f32 v10  }
0x90: {  	v12 =	vsel vm8, v27, v12;
	vm13 =	vlt.f32 v35, v18;
	vm7 =	vlt.f32 v22, v3  }
0x91: {  	v25 =	vadd.s32 $0x211, v12;
	v14 =	vsel vm13, v41, v14;
	vm12 =	vlt.f32 v13, v7  }
0x92: {  	v28 =	vsel vm7, $0x1, v47;
	v42 =	vor.u32 $0x22F, v14;
	v2 =	vsel vm12, v37, v2  }
0x93: {  	v19 =	vld.idx.msk [tilespmem:v34+s15+$0x0], $0xffff;
	v20 =	vadd.s32 v28, v8;
	vm11 =	vlt.f32 v16, v5;
	v40 =	vadd.s32 $0x213, v2  }
0x94: {  	(erf) = vpow2.f32 v31;
	v32 =	vadd.s32 $0x840, v20;
	v26 =	vsel vm11, $0x1, v47;
	v13 =	vld.idx.msk [tilespmem:v38+s15+$0x0], $0xffff  }
0x95: {  	v39 =	vadd.s32 $0x420, v20;
	v21 =	vadd.s32 v26, v21  }
0x96: {  	v25 =	vld.idx.msk [tilespmem:v25+s15+$0x0], $0xffff;
	v27 =	vadd.s32 $0x210, v21  }
0x97: {  	v22 =	vld.idx.msk [tilespmem:v42+s15+$0x0], $0xffff  }
0x98: {  	v44 =	vadd.s32 $0x10, v15;
	vm15 =	vlt.f32 v19, v9;
	v26 =	vld.idx.msk [tilespmem:v40+s15+$0x0], $0xffff  }
0x99: {  	v45 =	vor.u32 $0x80, v36;
	v19 =	vsel vm15, v44, v15;
	v17 =	vld.idx.msk [tilespmem:v32+s15+$0x0], $0xffff;
	vm4 =	vlt.f32 v13, v23  }
0x9a: {  	v43 =	vadd.s32 $0x2, v12;
	v29 =	vadd.s32 $0x217, v19;
	v24 =	vld.idx.msk [tilespmem:v39+s15+$0x0], $0xffff;
	v13 =	vsel vm4, v45, v36  }
0x9b: {  	v56 =	vor.u32 $0x20, v14;
	vm14 =	vlt.f32 v25, v33;
	v27 =	vld.idx.msk [tilespmem:v27+s15+$0x0], $0xffff;
	v50 =	vor.u32 $0x24F, v13  }
0x9c: {  	[tilespmem:$0x1FEF0] =	vst v0;
	v0 =	vpop (erf);
	v49 =	vadd.s32 $0x4, v2;
	v25 =	vsel vm14, v43, v12;
	vm7 =	vlt.f32 v22, v18  }
0x9d: {  	[tilespmem:$0x1FF10] =	vst v0;
	v0 =	vpop (erf);
	v28 =	vadd.s32 $0x210, v25;
	v58 =	vsel vm7, v56, v14;
	vm5 =	vlt.f32 v26, v7  }
0x9e: {  	v17 =	vmul.f32 v17, v0;
	v14 =	vadd.s32 $0x21F, v58;
	v2 =	vsel vm5, v49, v2  }
0x9f: {  	v48 =	vadd.f32 v5, v5;
	v55 =	vld.idx.msk [tilespmem:v29+s15+$0x0], $0xffff;
	v54 =	vadd.s32 $0x211, v2  }
0xa0: {  	v46 =	vadd.f32 v17, v24;
	vm6 =	vlt.f32 v27, v5;
	v59 =	vld.idx.msk [tilespmem:v50+s15+$0x0], $0xffff  }
0xa1: {  	v53 =	vmul.f32 $1.442695020e+00, v48;
	v24 =	vld [tilespmem:s16+$0x0];
	v52 =	vsel vm6, $0x1, v47  }
0xa2: {  	(erf) = vrcp.f32 v46;
	v51 =	vld.idx.msk [tilespmem:v28+s15+$0x0], $0xffff;
	v15 =	vadd.s32 v52, v21  }
0xa3: {  	(erf) = vpow2.f32 v53;
	v8 =	vld.idx.msk [tilespmem:v14+s15+$0x0], $0xffff;
	v57 =	vadd.s32 $0x840, v15  }
0xa4: {  	v62 =	vadd.s32 $0x8, v19;
	v10 =	vor.u32 $0x40, v13;
	vm9 =	vlt.f32 v55, v9;
	v17 =	vld.idx.msk [tilespmem:v54+s15+$0x0], $0xffff  }
0xa5: {  	v19 =	vsel vm9, v62, v19;
	v60 =	vadd.s32 $0x420, v15;
	vm10 =	vlt.f32 v59, v23  }
0xa6: {  	v36 =	vadd.s32 $0x10, v58;
	v21 =	vadd.s32 $0x213, v19;
	v22 =	vsel vm10, v10, v13  }
0xa7: {  	v11 =	vadd.s32 $0x2, v2;
	vm12 =	vlt.f32 v6, v24;
	v30 =	vor.u32 $0x22F, v22  }
0xa8: {  	v31 =	vsel vm12, $0x100, v47;
	vm8 =	vlt.f32 v51, v33;
	vm13 =	vlt.f32 v8, v18;
	v27 =	vld.idx.msk [tilespmem:v57+s15+$0x0], $0xffff  }
0xa9: {  	v32 =	vor.u32 $0x28F, v31;
	v16 =	vsel vm13, v36, v58;
	vm11 =	vlt.f32 v17, v7  }
0xaa: {  	v61 =	vsel vm8, $0x1, v47;
	v37 =	vadd.s32 $0x217, v16;
	v26 =	vld.idx.msk [tilespmem:v60+s15+$0x0], $0xffff;
	v2 =	vsel vm11, v11, v2  }
0xab: {  	[tilespmem:$0x1FF00] =	vst v0;
	v25 =	vadd.s32 v61, v25;
	v21 =	vld.idx.msk [tilespmem:v21+s15+$0x0], $0xffff;
	v0 =	vpop (erf);
	v14 =	vadd.s32 $0x210, v2  }
0xac: {  	v63 =	vadd.s32 $0x210, v25;
	[tilespmem:$0x1FF30] =	vst v0;
	v0 =	vpop (erf);
	v38 =	vld.idx.msk [tilespmem:v30+s15+$0x0], $0xffff  }
0xad: {  	v12 =	vmul.f32 v27, v0  }
0xae: {  	v42 =	vld.idx.msk [tilespmem:v32+s15+$0x0], $0xffff  }
0xaf: {  	v17 =	vadd.f32 v12, v26;
	v26 =	vld.idx.msk [tilespmem:v37+s15+$0x0], $0xffff  }
0xb0: {  	v41 =	vadd.s32 $0x4, v19;
	vm15 =	vlt.f32 v21, v9;
	v39 =	vld.idx.msk [tilespmem:v14+s15+$0x0], $0xffff  }
0xb1: {  	v44 =	vor.u32 $0x20, v22;
	v13 =	vld.idx.msk [tilespmem:v63+s15+$0x0], $0xffff;
	v19 =	vsel vm15, v41, v19;
	vm4 =	vlt.f32 v38, v23  }
0xb2: {  	v21 =	vadd.s32 $0x211, v19;
	v29 =	vsel vm4, v44, v22  }
0xb3: {  	v48 =	vadd.s32 $0x21F, v29  }
0xb4: {  	v49 =	vor.u32 $0x80, v31;
	v51 =	vadd.s32 $0x8, v16;
	v22 =	vld [tilespmem:s16+$0x10]  }
0xb5: {  	vm6 =	vlt.f32 v42, v24;
	vm7 =	vlt.f32 v26, v18;
	vm5 =	vlt.f32 v39, v7  }
0xb6: {  	vm14 =	vlt.f32 v13, v33;
	v26 =	vsel vm7, v51, v16;
	v34 =	vsel vm5, $0x1, v47  }
0xb7: {  	v21 =	vld.idx.msk [tilespmem:v21+s15+$0x0], $0xffff;
	v53 =	vadd.s32 $0x213, v26;
	v50 =	vadd.s32 v34, v2;
	v2 =	vsel vm6, v49, v31  }
0xb8: {  	v43 =	vadd.f32 v33, v33;
	v40 =	vsel vm14, $0x1, v47;
	v27 =	vld.idx.msk [tilespmem:v48+s15+$0x0], $0xffff;
	v28 =	vor.u32 $0x24F, v2  }
0xb9: {  	(erf) = vrcp.f32 v17;
	v17 =	vadd.s32 v40, v25;
	vm8 =	vlt.f32 v6, v22  }
0xba: {  	v25 =	vmul.f32 $1.442695020e+00, v43;
	v45 =	vadd.s32 $0x420, v17;
	v35 =	vsel vm8, $0x100, v47  }
0xbb: {  	v54 =	vadd.s32 $0x2, v19;
	v57 =	vadd.s32 $0x10, v29;
	v56 =	vor.u32 $0x28F, v35  }
0xbc: {  	v46 =	vadd.s32 $0x840, v17;
	(erf) = vpow2.f32 v25;
	vm9 =	vlt.f32 v21, v9;
	v34 =	vld.idx.msk [tilespmem:v53+s15+$0x0], $0xffff  }
0xbd: {  	v36 =	vsel vm9, v54, v19;
	v52 =	vadd.s32 $0x210, v50;
	vm10 =	vlt.f32 v27, v23;
	v55 =	vld.idx.msk [tilespmem:v28+s15+$0x0], $0xffff  }
0xbe: {  	v11 =	vld [tilespmem:s16+$0x20];
	v37 =	vadd.s32 $0x210, v36;
	v27 =	vsel vm10, v57, v29  }
0xbf: {  	v30 =	vld.idx.msk [tilespmem:v45+s15+$0x0], $0xffff;
	v59 =	vadd.s32 $0x217, v27  }
0xc0: {  	v28 =	vld.idx.msk [tilespmem:v56+s15+$0x0], $0xffff  }
0xc1: {  	v10 =	vadd.s32 $0x210, v1;
	v63 =	vadd.s32 $0x4, v26;
	v32 =	vld.idx.msk [tilespmem:v46+s15+$0x0], $0xffff;
	vm13 =	vlt.f32 v34, v18  }
0xc2: {  	v60 =	vor.u32 $0x40, v2;
	v31 =	vld.idx.msk [tilespmem:v52+s15+$0x0], $0xffff;
	v26 =	vsel vm13, v63, v26;
	vm11 =	vlt.f32 v55, v24  }
0xc3: {  	v62 =	vld.idx.msk [tilespmem:v37+s15+$0x0], $0xffff;
	v44 =	vadd.s32 $0x211, v26;
	v61 =	vsel vm11, v60, v2  }
0xc4: {  	[tilespmem:$0x1FF20] =	vst v0;
	vm15 =	vlt.f32 v6, v11;
	v0 =	vpop (erf);
	v45 =	vld.idx.msk [tilespmem:v59+s15+$0x0], $0xffff;
	v8 =	vor.u32 $0x22F, v61  }
0xc5: {  	v49 =	vor.u32 $0x80, v35;
	[tilespmem:$0x1FF50] =	vst v0;
	v53 =	vsel vm15, $0x100, v47;
	v0 =	vpop (erf);
	vm14 =	vlt.f32 v28, v22  }
0xc6: {  	v40 =	vor.u32 $0x28F, v53;
	v58 =	vmul.f32 v32, v0;
	v28 =	vsel vm14, v49, v35  }
0xc7: {  	v12 =	vld.idx.msk [tilespmem:v10+s15+$0x0], $0xffff;
	v54 =	vadd.s32 $0x8, v27;
	vm12 =	vlt.f32 v31, v7;
	v52 =	vor.u32 $0x24F, v28  }
0xc8: {  	v29 =	vadd.f32 v58, v30;
	vm4 =	vlt.f32 v62, v9;
	v38 =	vsel vm12, $0x1, v47;
	v25 =	vld.idx.msk [tilespmem:v44+s15+$0x0], $0xffff  }
0xc9: {  	v19 =	vadd.s32 v38, v50;
	v50 =	vadd.f32 v7, v7;
	vm5 =	vlt.f32 v45, v23;
	v51 =	vld.idx.msk [tilespmem:v8+s15+$0x0], $0xffff  }
0xca: {  	v14 =	vld.idx.msk [tilespmem:v1+s15+$0x0], $0xffff;
	(erf) = vrcp.f32 v29;
	v39 =	vsel vm4, $0x1, v47;
	v27 =	vsel vm5, v54, v27  }
0xcb: {  	v57 =	vld.idx.msk [tilespmem:v40+s15+$0x0], $0xffff;
	v36 =	vadd.s32 v39, v36;
	v38 =	vmul.f32 $1.442695020e+00, v50;
	v29 =	vadd.s32 $0x213, v27  }
0xcc: {  	v58 =	vadd.s32 $0x2, v26;
	v55 =	vadd.s32 $0x210, v36;
	v56 =	vor.u32 $0x20, v61;
	v34 =	vld.idx.msk [tilespmem:v52+s15+$0x0], $0xffff  }
0xcd: {  	v46 =	vadd.s32 $0x840, v19;
	(erf) = vpow2.f32 v38;
	vm7 =	vlt.f32 v25, v18;
	v8 =	vld [tilespmem:s16+$0x30]  }
0xce: {  	v41 =	vadd.s32 $0x420, v19;
	v42 =	vsel vm7, v58, v26;
	vm6 =	vlt.f32 v51, v24  }
0xcf: {  	v43 =	vsub.f32 v12, v4;
	v39 =	vld.idx.msk [tilespmem:v20+s15+$0x0], $0xffff;
	v45 =	vadd.s32 $0x210, v42;
	v30 =	vsel vm6, v56, v61  }
0xd0: {  	v40 =	vsub.f32 v4, v14;
	v62 =	vadd.s32 $0x210, v15;
	v29 =	vld.idx.msk [tilespmem:v29+s15+$0x0], $0xffff;
	v59 =	vadd.s32 $0x21F, v30  }
0xd1: {  	vm9 =	vlt.f32 v57, v11;
	v60 =	vor.u32 $0x40, v28;
	v37 =	vld.idx.msk [tilespmem:v55+s15+$0x0], $0xffff;
	vm8 =	vlt.f32 v34, v22  }
0xd2: {  	v44 =	vadd.s32 $0x210, v20;
	v32 =	vld.idx.msk [tilespmem:v46+s15+$0x0], $0xffff;
	vm12 =	vlt.f32 v6, v8;
	v28 =	vsel vm8, v60, v28  }
0xd3: {  	v63 =	vld.idx.msk [tilespmem:v41+s15+$0x0], $0xffff;
	v61 =	vor.u32 $0x80, v53;
	v55 =	vsel vm12, $0x100, v47;
	v50 =	vor.u32 $0x22F, v28  }
0xd4: {  	v49 =	vsub.f32 v3, v39;
	v51 =	vsel vm9, v61, v53;
	v10 =	vld.idx.msk [tilespmem:v45+s15+$0x0], $0xffff;
	v56 =	vor.u32 $0x28F, v55  }
0xd5: {  	v13 =	vadd.s32 $0x4, v27;
	v26 =	vpop (erf);
	v4 =	vor.u32 $0x24F, v51;
	vm11 =	vlt.f32 v29, v23;
	v38 =	vld.idx.msk [tilespmem:v59+s15+$0x0], $0xffff  }
0xd6: {  	v52 =	vadd.s32 $0x210, v17;
	vm10 =	vlt.f32 v37, v9;
	v25 =	vpop (erf);
	v29 =	vsel vm11, v13, v27  }
0xd7: {  	v21 =	vsel vm10, $0x1, v47;
	v45 =	vld.idx.msk [tilespmem:v44+s15+$0x0], $0xffff;
	v32 =	vmul.f32 v32, v25;
	v54 =	vadd.s32 $0x211, v29  }
0xd8: {  	v53 =	vadd.f32 v9, v9;
	v60 =	vadd.s32 $0x10, v30;
	v57 =	vor.u32 $0x20, v28;
	v50 =	vld.idx.msk [tilespmem:v50+s15+$0x0], $0xffff  }
0xd9: {  	vm9 =	veq.f32 v40, v43;
	v27 =	vadd.s32 v21, v36;
	v32 =	vadd.f32 v32, v63;
	v58 =	vld.idx.msk [tilespmem:v56+s15+$0x0], $0xffff  }
0xda: {  	v44 =	vadd.s32 $0x840, v27;
	vm14 =	vlt.f32 v10, v18;
	v61 =	vld.idx.msk [tilespmem:v4+s15+$0x0], $0xffff;
	vm13 =	vlt.f32 v38, v24  }
0xdb: {  	v59 =	vor.u32 $0x40, v51;
	v10 =	vld [tilespmem:s16+$0x40];
	v4 =	vadd.s32 $0x420, v27;
	v30 =	vsel vm13, v60, v30  }
0xdc: {  	(erf) = vrcp.f32 v32;
	v13 =	vsel vm14, $0x1, v47;
	v21 =	vld.idx.msk [tilespmem:v54+s15+$0x0], $0xffff;
	v63 =	vadd.s32 $0x217, v30  }
0xdd: {  	v34 =	vadd.s32 v13, v42;
	v38 =	vld.idx.msk [tilespmem:v62+s15+$0x0], $0xffff;
	v62 =	vmul.f32 $1.442695020e+00, v53;
	vm15 =	vlt.f32 v50, v22  }
0xde: {  	v13 =	vor.u32 $0x80, v55;
	v46 =	vadd.s32 $0x210, v34;
	v50 =	vsel vm15, v57, v28  }
0xdf: {  	v35 =	vld.idx.msk [tilespmem:v15+s15+$0x0], $0xffff;
	vm4 =	vlt.f32 v61, v11;
	(erf) = vpow2.f32 v62;
	v61 =	vadd.s32 $0x21F, v50  }
0xe0: {  	vm8 =	vlt.f32 v58, v8;
	vm11 =	vlt.f32 v6, v10;
	v60 =	vsub.f32 v45, v3;
	v41 =	vld.idx.msk [tilespmem:v4+s15+$0x0], $0xffff  }
0xe1: {  	v4 =	vadd.s32 $0x2, v29;
	v42 =	vsel vm8, v13, v55;
	v51 =	vsel vm4, v59, v51;
	v37 =	vld.idx.msk [tilespmem:v63+s15+$0x0], $0xffff  }
0xe2: {  	v32 =	vld.idx.msk [tilespmem:v52+s15+$0x0], $0xffff;
	v62 =	vor.u32 $0x22F, v51;
	vm6 =	vlt.f32 v49, v60;
	vm5 =	vlt.f32 v21, v23  }
0xe3: {  	vm7 =	veq.f32 v49, v60;
	v60 =	vor.u32 $0x24F, v42;
	v49 =	vsel vm5, v4, v29;
	v63 =	vld.idx.msk [tilespmem:v44+s15+$0x0], $0xffff  }
0xe4: {  	vm14 =	vlt.f32 v40, v43;
	v56 =	vsel vm11, $0x100, v47;
	v52 =	vld.idx.msk [tilespmem:v61+s15+$0x0], $0xffff;
	v61 =	vadd.s32 $0x210, v49  }
0xe5: {  	v43 =	vsub.f32 v5, v35;
	v57 =	vsub.f32 v38, v5;
	v5 =	vor.u32 $0x28F, v56  }
0xe6: {  	v59 =	vadd.s32 $0x8, v30;
	v21 =	vld.idx.msk [tilespmem:v46+s15+$0x0], $0xffff;
	vm10 =	vlt.f32 v37, v24  }
0xe7: {  	[tilespmem:$0x1FF40] =	vst v0;
	v0 =	vpop (erf);
	v40 =	vld.idx.msk [tilespmem:v62+s15+$0x0], $0xffff;
	v37 =	vsel vm10, v59, v30  }
0xe8: {  	v13 =	vadd.f32 v18, v18;
	v44 =	vld.idx.msk [tilespmem:v60+s15+$0x0], $0xffff;
	v29 =	vpop (erf);
	v62 =	vadd.s32 $0x213, v37  }
0xe9: {  	v36 =	vmul.f32 v63, v29;
	vm13 =	vlt.f32 v52, v22;
	v52 =	vld.idx.msk [tilespmem:v61+s15+$0x0], $0xffff  }
0xea: {  	v55 =	vmul.f32 $1.442695020e+00, v13;
	v4 =	vor.u32 $0x20, v51;
	v63 =	vadd.s32 $0x10, v50;
	v61 =	vld.idx.msk [tilespmem:v5+s15+$0x0], $0xffff  }
0xeb: {  	vm12 =	vlt.f32 v21, v18;
	v36 =	vadd.f32 v36, v41;
	v41 =	vsel vm13, v63, v50  }
0xec: {  	v31 =	vld.idx.msk [tilespmem:v17+s15+$0x0], $0xffff;
	v46 =	vsel vm12, $0x1, v47;
	vm15 =	vlt.f32 v40, v11;
	v28 =	vadd.s32 $0x217, v41  }
0xed: {  	v59 =	vadd.s32 $0x210, v19;
	vm4 =	vlt.f32 v44, v8;
	v40 =	vsel vm15, v4, v51;
	v21 =	vld.idx.msk [tilespmem:v62+s15+$0x0], $0xffff  }
0xee: {  	v5 =	vld [tilespmem:s16+$0x50];
	v63 =	vadd.s32 $0x4, v37;
	v4 =	vor.u32 $0x80, v56;
	v60 =	vadd.s32 $0x21F, v40  }
0xef: {  	(erf) = vrcp.f32 v36;
	v36 =	vadd.s32 v46, v34;
	vm10 =	vlt.f32 v61, v10  }
0xf0: {  	v50 =	vadd.s32 $0x840, v36;
	v54 =	vsel vm10, v4, v56;
	v62 =	vor.u32 $0x40, v42  }
0xf1: {  	(erf) = vpow2.f32 v55;
	v55 =	vor.u32 $0x24F, v54;
	v42 =	vsel vm4, v62, v42;
	v44 =	vld.idx.msk [tilespmem:v28+s15+$0x0], $0xffff  }
0xf2: {  	v30 =	vld.idx.msk [tilespmem:v19+s15+$0x0], $0xffff;
	vm5 =	vlt.f32 v52, v23;
	v52 =	vor.u32 $0x22F, v42;
	vm8 =	vlt.f32 v21, v24  }
0xf3: {  	v58 =	vsub.f32 v33, v31;
	vm11 =	vlt.f32 v6, v5;
	v53 =	vsel vm8, v63, v37;
	v37 =	vld.idx.msk [tilespmem:v60+s15+$0x0], $0xffff  }
0xf4: {  	v33 =	vsub.f32 v32, v33;
	v61 =	vsel vm11, $0x100, v47;
	v28 =	vld.idx.msk [tilespmem:v59+s15+$0x0], $0xffff;
	v21 =	vadd.s32 $0x211, v53  }
0xf5: {  	v34 =	vadd.s32 $0x8, v41;
	v13 =	vsel vm5, $0x1, v47;
	v62 =	vor.u32 $0x28F, v61;
	v50 =	vld.idx.msk [tilespmem:v50+s15+$0x0], $0xffff  }
0xf6: {  	v56 =	vadd.s32 $0x420, v36;
	v49 =	vadd.s32 v13, v49;
	v55 =	vld.idx.msk [tilespmem:v55+s15+$0x0], $0xffff;
	vm12 =	vlt.f32 v44, v22  }
0xf7: {  	vm2 =	vlt.f32 v58, v33;
	v60 =	vadd.s32 $0x210, v49;
	v52 =	vld.idx.msk [tilespmem:v52+s15+$0x0], $0xffff;
	v44 =	vsel vm12, v34, v41  }
0xf8: {  	v46 =	vadd.s32 $0x10, v40;
	v13 =	vadd.s32 $0x213, v44;
	vm13 =	vlt.f32 v37, v11  }
0xf9: {  	v51 =	vsub.f32 v7, v30;
	v7 =	vsub.f32 v28, v7;
	v63 =	vld.idx.msk [tilespmem:v21+s15+$0x0], $0xffff;
	v40 =	vsel vm13, v46, v40  }
0xfa: {  	vm3 =	veq.f32 v58, v33;
	[tilespmem:$0x1FF60] =	vst v0;
	vm8 =	vlt.f32 v43, v57;
	v0 =	vpop (erf);
	v37 =	vld.idx.msk [tilespmem:v62+s15+$0x0], $0xffff;
	v21 =	vadd.s32 $0x217, v40  }
0xfb: {  	v56 =	vld.idx.msk [tilespmem:v56+s15+$0x0], $0xffff;
	[tilespmem:$0x1FF80] =	vst v0;
	v0 =	vpop (erf);
	v34 =	vor.u32 $0x20, v42;
	vm0 =	vlt.f32 v51, v7;
	vm1 =	veq.f32 v51, v7  }
0xfc: {  	v50 =	vmul.f32 v50, v0;
	vm10 =	vlt.f32 v55, v10;
	v33 =	vld.idx.msk [tilespmem:v60+s15+$0x0], $0xffff;
	vm4 =	vlt.f32 v52, v8  }
0xfd: {  	vm13 =	veq.f32 v43, v57;
	v52 =	vadd.s32 $0x210, v27;
	v42 =	vsel vm4, v34, v42;
	v60 =	vld.idx.msk [tilespmem:v13+s15+$0x0], $0xffff  }
0xfe: {  	v46 =	vadd.s32 $0x2, v53;
	v62 =	vadd.s32 $0x21F, v42;
	vm15 =	vlt.f32 v63, v24  }
0xff: {  	vm11 =	vlt.f32 v37, v5;
	v63 =	vor.u32 $0x40, v54;
	v53 =	vsel vm15, v46, v53;
	v43 =	vld.idx.msk [tilespmem:v21+s15+$0x0], $0xffff  }
0x100: {  	v54 =	vsel vm10, v63, v54;
	v21 =	vor.u32 $0x80, v61;
	v13 =	vadd.s32 $0x210, v53  }
0x101: {  	v7 =	vld [tilespmem:s16+$0x60];
	v50 =	vadd.f32 v50, v56;
	v57 =	vor.u32 $0x22F, v54;
	v56 =	vsel vm11, v21, v61  }
0x102: {  	v4 =	vadd.f32 v23, v23;
	v41 =	vld.idx.msk [tilespmem:v27+s15+$0x0], $0xffff;
	vm12 =	vlt.f32 v60, v22;
	v60 =	vor.u32 $0x24F, v56  }
0x103: {  	(erf) = vrcp.f32 v50;
	v34 =	vadd.s32 $0x4, v44;
	vm5 =	vlt.f32 v33, v23;
	v58 =	vld.idx.msk [tilespmem:v62+s15+$0x0], $0xffff  }
0x104: {  	v37 =	vadd.s32 $0x8, v40;
	v59 =	vsel vm12, v34, v44;
	v44 =	vld.idx.msk [tilespmem:v52+s15+$0x0], $0xffff;
	vm15 =	vlt.f32 v43, v11  }
0x105: {  	v33 =	vsel vm5, $0x1, v47;
	v55 =	vld.idx.msk [tilespmem:v13+s15+$0x0], $0xffff;
	v13 =	vadd.s32 $0x211, v59;
	v62 =	vsel vm15, v37, v40  }
0x106: {  	vm10 =	vlt.f32 v6, v7;
	v34 =	vadd.s32 $0x10, v42;
	v21 =	vld.idx.msk [tilespmem:v57+s15+$0x0], $0xffff;
	v40 =	vadd.s32 $0x213, v62  }
0x107: {  	v43 =	vadd.s32 v33, v49;
	v33 =	vmul.f32 $1.442695020e+00, v4;
	v37 =	vld.idx.msk [tilespmem:v60+s15+$0x0], $0xffff;
	v60 =	vsel vm10, $0x100, v47  }
0x108: {  	v52 =	vsub.f32 v9, v41;
	v50 =	vadd.s32 $0x840, v43;
	v46 =	vor.u32 $0x28F, v60  }
0x109: {  	vm11 =	vlt.f32 v58, v8;
	v63 =	vadd.s32 $0x420, v43;
	(erf) = vpow2.f32 v33  }
0x10a: {  	v51 =	vsel vm11, v34, v42;
	v33 =	vor.u32 $0x40, v56;
	v34 =	vsub.f32 v44, v9;
	v4 =	vld.idx.msk [tilespmem:v13+s15+$0x0], $0xffff  }
0x10b: {  	vm12 =	vlt.f32 v55, v24;
	vm15 =	vlt.f32 v21, v10;
	v21 =	vor.u32 $0x20, v54;
	v40 =	vld.idx.msk [tilespmem:v40+s15+$0x0], $0xffff  }
0x10c: {  	v57 =	vadd.s32 $0x217, v51;
	v13 =	vsel vm12, $0x1, v47;
	v49 =	vsel vm15, v21, v54  }
0x10d: {  	vm10 =	vlt.f32 v37, v5;
	v53 =	vadd.s32 v13, v53;
	v54 =	vadd.s32 $0x21F, v49;
	v37 =	vld.idx.msk [tilespmem:v46+s15+$0x0], $0xffff  }
0x10e: {  	[tilespmem:$0x1FF70] =	vst v0;
	vm4 =	vlt.f32 v52, v34;
	v21 =	vadd.s32 $0x4, v62;
	v0 =	vadd.s32 $0x210, v53  }
0x10f: {  	v9 =	vld [tilespmem:s16+$0x70];
	v56 =	vsel vm10, v33, v56;
	v46 =	vadd.s32 $0x2, v59;
	vm11 =	vlt.f32 v4, v22  }
0x110: {  	v50 =	vld.idx.msk [tilespmem:v50+s15+$0x0], $0xffff;
	v13 =	vor.u32 $0x22F, v56;
	v59 =	vsel vm11, v46, v59;
	vm12 =	vlt.f32 v40, v11  }
0x111: {  	vm5 =	veq.f32 v52, v34;
	v63 =	vld.idx.msk [tilespmem:v63+s15+$0x0], $0xffff;
	v62 =	vsel vm12, v21, v62;
	v33 =	vadd.s32 $0x210, v59  }
0x112: {  	v54 =	vld.idx.msk [tilespmem:v54+s15+$0x0], $0xffff;
	vm10 =	vlt.f32 v37, v7;
	v37 =	vor.u32 $0x80, v60;
	v34 =	vadd.s32 $0x211, v62  }
0x113: {  	v0 =	vld.idx.msk [tilespmem:v0+s15+$0x0], $0xffff;
	v58 =	vsel vm10, v37, v60  }
0x114: {  	v16 =	vmov v1;
	v2 =	vpop (erf);
	v4 =	vld.idx.msk [tilespmem:v57+s15+$0x0], $0xffff;
	v46 =	vor.u32 $0x24F, v58  }
0x115: {  	v48 =	vadd.s32 $0xC60, v1;
	v1 =	vadd.s32 $0xE70, v1;
	vm15 =	vlt.f32 v6, v9;
	v61 =	vpop (erf);
	v57 =	vld.idx.msk [tilespmem:v13+s15+$0x0], $0xffff  }
0x116: {  	v50 =	vmul.f32 v50, v61;
	v40 =	vadd.s32 $0x8, v51;
	v60 =	vsel vm15, $0x100, v47;
	v42 =	vld.idx.msk [tilespmem:v33+s15+$0x0], $0xffff  }
0x117: {  	vm12 =	vlt.f32 v54, v10;
	v33 =	vadd.s32 $0x10, v49;
	v52 =	vld.idx.msk [tilespmem:v34+s15+$0x0], $0xffff;
	v34 =	vor.u32 $0x28F, v60  }
0x118: {  	vm15 =	vlt.f32 v0, v24;
	v0 =	vadd.s32 $0x210, v36;
	v54 =	vsel vm12, v33, v49  }
0x119: {  	v21 =	vimm.s32 $0x0;
	v6 =	vadd.f32 v50, v63;
	v49 =	vadd.s32 $0x217, v54;
	v46 =	vld.idx.msk [tilespmem:v46+s15+$0x0], $0xffff  }
0x11a: {  	v48 =	vld.idx.msk [tilespmem:v48+s15+$0x0], $0xffff;
	v37 =	vor.u32 $0x20, v56;
	vm11 =	vlt.f32 v4, v8;
	vm12 =	vlt.f32 v57, v5  }
0x11b: {  	v3 =	vld.idx.msk [tilespmem:v1+s15+$0x0], $0xffff;
	v4 =	vadd.f32 v24, v24;
	v56 =	vsel vm12, v37, v56;
	v37 =	vadd.s32 $0x210, v43  }
0x11c: {  	(erf) = vrcp.f32 v6;
	v55 =	vsel vm11, v40, v51;
	v33 =	vadd.s32 $0x21F, v56;
	v34 =	vld.idx.msk [tilespmem:v34+s15+$0x0], $0xffff  }
0x11d: {  	v13 =	vadd.s32 $0x213, v55;
	v40 =	vsel vm15, $0x1, v47;
	vm15 =	vlt.f32 v42, v22;
	v50 =	vld.idx.msk [tilespmem:v0+s15+$0x0], $0xffff  }
0x11e: {  	v42 =	vsel vm15, $0x1, v21;
	v0 =	vor.u32 $0x40, v58;
	v6 =	vld.idx.msk [tilespmem:v49+s15+$0x0], $0xffff;
	vm15 =	vlt.f32 v46, v7  }
0x11f: {  	v47 =	vmul.f32 $1.442695020e+00, v4;
	v46 =	vld.idx.msk [tilespmem:v43+s15+$0x0], $0xffff;
	v57 =	vsel vm15, v0, v58  }
0x120: {  	v4 =	vadd.s32 $0x2, v62;
	v49 =	vld.idx.msk [tilespmem:v37+s15+$0x0], $0xffff;
	v0 =	vor.u32 $0x22F, v57  }
0x121: {  	(erf) = vpow2.f32 v47;
	v47 =	vadd.s32 v42, v59;
	v42 =	vadd.s32 $0xA50, v16;
	v33 =	vld.idx.msk [tilespmem:v33+s15+$0x0], $0xffff  }
0x122: {  	v51 =	vadd.s32 v40, v53;
	v1 =	vadd.s32 $0x10, v56;
	vm12 =	vlt.f32 v52, v11  }
0x123: {  	v13 =	vld.idx.msk [tilespmem:v13+s15+$0x0], $0xffff;
	v59 =	vsel vm12, v4, v62;
	vm15 =	vlt.f32 v34, v9;
	v34 =	vor.u32 $0x80, v60  }
0x124: {  	[tilespmem:$0x1FF90] =	vst v2;
	v40 =	vld.idx.msk [tilespmem:v36+s15+$0x0], $0xffff;
	v4 =	vadd.s32 $0x840, v51;
	v58 =	vadd.s32 $0x420, v51;
	v52 =	vsel vm15, v34, v60  }
0x125: {  	vm15 =	vlt.s32 v48, v3;
	v2 =	vld.idx.msk [tilespmem:v0+s15+$0x0], $0xffff;
	v0 =	vsub.f32 v23, v46;
	v23 =	vsub.f32 v49, v23  }
0x126: {  	v42 =	vld.idx.msk [tilespmem:v42+s15+$0x0], $0xffff;
	v37 =	vor.u32 $0x24F, v52;
	vm11 =	vlt.f32 v33, v5;
	vm15 =	vmand vm9, vm15  }
0x127: {  	v56 =	vsel vm11, v1, v56;
	vm9 =	vlt.f32 v0, v23;
	vm11 =	veq.f32 v0, v23;
	v0 =	vld [tilespmem:$0x1FEF0]  }
0x128: {  	vm12 =	vlt.f32 v13, v8;
	v13 =	vadd.s32 $0x4, v55;
	v33 =	vadd.s32 $0x210, v47  }
0x129: {  	v55 =	vsel vm12, v13, v55;
	v34 =	vadd.s32 $0x210, v59  }
0x12a: {  	vm12 =	vlt.f32 v6, v10;
	v60 =	vsub.f32 v18, v40;
	v6 =	vadd.s32 $0x8, v54;
	v58 =	vld.idx.msk [tilespmem:v58+s15+$0x0], $0xffff  }
0x12b: {  	v18 =	vsub.f32 v50, v18;
	v13 =	vsel vm12, v6, v54;
	v6 =	vld.idx.msk [tilespmem:v4+s15+$0x0], $0xffff;
	vm14 =	vmor vm14, vm15  }
0x12c: {  	v1 =	vld.idx.msk [tilespmem:v37+s15+$0x0], $0xffff;
	v37 =	vadd.s32 $0xC60, v20;
	v42 =	vmul.f32 v42, v0;
	v0 =	vsel vm14, v14, v12  }
0x12d: {  	v4 =	vadd.s32 $0x211, v55;
	v53 =	vld.idx.msk [tilespmem:v33+s15+$0x0], $0xffff  }
0x12e: {  	vm10 =	vlt.f32 v60, v18;
	v54 =	vadd.s32 $0x213, v13;
	vm15 =	vlt.f32 v2, v7;
	v2 =	vld.idx.msk [tilespmem:v34+s15+$0x0], $0xffff  }
0x12f: {  	vm12 =	veq.f32 v60, v18;
	v18 =	vadd.f32 v22, v22;
	v33 =	vor.u32 $0x20, v57;
	[tilespmem:$0x1FFA0] =	vst v0;
	v0 =	vpop (erf)  }
0x130: {  	v34 =	vadd.s32 $0x217, v56;
	v12 =	vsel vm15, v33, v57;
	v57 =	vadd.s32 $0xE70, v20;
	v23 =	vpop (erf)  }
0x131: {  	vm15 =	vlt.f32 v1, v9;
	v1 =	vor.u32 $0x40, v52;
	v62 =	vld.idx.msk [tilespmem:v37+s15+$0x0], $0xffff;
	v37 =	vmul.f32 v6, v23  }
0x132: {  	[tilespmem:$0x1FFC0] =	vst v0;
	v0 =	vsel vm15, v1, v52;
	v1 =	vsel vm14, v48, v3;
	v3 =	vld.idx.msk [tilespmem:v4+s15+$0x0], $0xffff  }
0x133: {  	vm14 =	vlt.f32 v53, v22;
	vm15 =	vlt.f32 v2, v11;
	v2 =	vld.idx.msk [tilespmem:v54+s15+$0x0], $0xffff;
	v52 =	vadd.f32 v37, v58  }
0x134: {  	v48 =	vmul.f32 $1.442695020e+00, v18;
	v6 =	vadd.s32 $0x21F, v12;
	v53 =	vsel vm14, $0x1, v21  }
0x135: {  	v14 =	vld.idx.msk [tilespmem:v34+s15+$0x0], $0xffff;
	v33 =	vor.u32 $0x22F, v0;
	v53 =	vadd.s32 v53, v47;
	(erf) = vrcp.f32 v52  }
0x136: {  	v34 =	vadd.s32 $0x210, v51;
	v47 =	vld.idx.msk [tilespmem:v57+s15+$0x0], $0xffff;
	v57 =	vadd.s32 $0x840, v53;
	(erf) = vpow2.f32 v48  }
0x137: {  	v4 =	vsel vm15, $0x1, v21;
	vm14 =	vlt.f32 v3, v8;
	v3 =	vadd.s32 $0x2, v55  }
0x138: {  	v37 =	vld.idx.msk [tilespmem:v51+s15+$0x0], $0xffff;
	v60 =	vsel vm14, v3, v55;
	vm14 =	vlt.f32 v2, v10;
	v2 =	vadd.s32 $0x420, v53  }
0x139: {  	v48 =	vadd.s32 v4, v59;
	v52 =	vld.idx.msk [tilespmem:v6+s15+$0x0], $0xffff  }
0x13a: {  	v6 =	vld.idx.msk [tilespmem:v33+s15+$0x0], $0xffff;
	v33 =	vadd.s32 $0x210, v48  }
0x13b: {  	v55 =	vld.idx.msk [tilespmem:v57+s15+$0x0], $0xffff  }
0x13c: {  	v18 =	vadd.s32 $0x8, v56;
	v34 =	vld.idx.msk [tilespmem:v34+s15+$0x0], $0xffff  }
0x13d: {  	v58 =	vadd.s32 $0x630, v16;
	v16 =	vadd.s32 $0x4, v13;
	vm15 =	vlt.f32 v14, v5;
	v2 =	vld.idx.msk [tilespmem:v2+s15+$0x0], $0xffff  }
0x13e: {  	[tilespmem:$0x1FFB0] =	vst v1;
	v14 =	vsel vm15, v18, v56;
	v13 =	vsel vm14, v16, v13;
	v56 =	vadd.s32 $0x210, v60;
	v1 =	vpop (erf)  }
0x13f: {  	v4 =	vadd.s32 $0x10, v12;
	v63 =	vadd.s32 $0x211, v13;
	v54 =	vld.idx.msk [tilespmem:v33+s15+$0x0], $0xffff;
	v33 =	vpop (erf)  }
0x140: {  	vm15 =	vlt.s32 v62, v47;
	vm14 =	vlt.f32 v52, v7;
	v55 =	vmul.f32 v55, v33  }
0x141: {  	v59 =	vsub.f32 v24, v37;
	v24 =	vsub.f32 v34, v24;
	v12 =	vsel vm14, v4, v12  }
0x142: {  	vm14 =	vlt.f32 v6, v9;
	v6 =	vor.u32 $0x20, v0;
	v2 =	vadd.f32 v55, v2  }
0x143: {  	vm15 =	vmand vm7, vm15;
	vm7 =	vlt.f32 v59, v24;
	v56 =	vld.idx.msk [tilespmem:v56+s15+$0x0], $0xffff;
	v16 =	vsel vm14, v6, v0  }
0x144: {  	vm14 =	veq.f32 v59, v24;
	v59 =	vld.idx.msk [tilespmem:v63+s15+$0x0], $0xffff;
	(erf) = vrcp.f32 v2;
	v2 =	vadd.s32 $0xE70, v15  }
0x145: {  	vm6 =	vmor vm6, vm15  }
0x146: {  	v3 =	vadd.s32 $0x213, v14;
	v57 =	vld.idx.msk [tilespmem:v58+s15+$0x0], $0xffff;
	v58 =	vadd.s32 $0xA50, v20;
	v62 =	vsel vm6, v62, v47  }
0x147: {  	v0 =	vadd.s32 $0x210, v53;
	v55 =	vsel vm6, v39, v45;
	vm6 =	vlt.f32 v54, v11  }
0x148: {  	v63 =	vadd.s32 $0x21F, v16;
	vm15 =	vlt.f32 v56, v8;
	v18 =	vsel vm6, $0x1, v21  }
0x149: {  	vm6 =	vlt.f32 v59, v10;
	v56 =	vadd.s32 v18, v48;
	v59 =	vld.idx.msk [tilespmem:v2+s15+$0x0], $0xffff;
	v2 =	vadd.s32 $0x2, v13  }
0x14a: {  	v13 =	vsel vm6, v2, v13;
	v2 =	vadd.s32 $0x420, v56  }
0x14b: {  	v3 =	vld.idx.msk [tilespmem:v3+s15+$0x0], $0xffff;
	v6 =	vadd.f32 v11, v11  }
0x14c: {  	v42 =	vadd.f32 v42, v57;
	v57 =	vld.idx.msk [tilespmem:v58+s15+$0x0], $0xffff;
	v24 =	vadd.s32 $0x217, v12  }
0x14d: {  	[tilespmem:$0x1FFD0] =	vst v62;
	v39 =	vld.idx.msk [tilespmem:v0+s15+$0x0], $0xffff;
	v0 =	vmul.f32 $1.442695020e+00, v6  }
0x14e: {  	[tilespmem:$0x1FFE0] =	vst v1;
	v1 =	vadd.s32 $0xC60, v15;
	v58 =	vsel vm15, $0x1, v21;
	v62 =	vld.idx.msk [tilespmem:v63+s15+$0x0], $0xffff  }
0x14f: {  	v63 =	vadd.s32 $0xA50, v15;
	(erf) = vpow2.f32 v0;
	v0 =	vadd.s32 v58, v60;
	v60 =	vld.idx.msk [tilespmem:v2+s15+$0x0], $0xffff;
	v2 =	vpop (erf)  }
0x150: {  	[tilespmem:$0x1FFF0] =	vst v2;
	v2 =	vld [tilespmem:$0x1FF10]  }
0x151: {  	v24 =	vld.idx.msk [tilespmem:v24+s15+$0x0], $0xffff  }
0x152: {  	vm15 =	vlt.f32 v3, v5;
	v45 =	vld.idx.msk [tilespmem:v53+s15+$0x0], $0xffff;
	v3 =	vadd.s32 $0x840, v56  }
0x153: {  	v20 =	vadd.s32 $0x630, v20;
	v1 =	vld.idx.msk [tilespmem:v1+s15+$0x0], $0xffff  }
0x154: {  	v15 =	vadd.s32 $0x630, v15;
	v48 =	vld.idx.msk [tilespmem:v63+s15+$0x0], $0xffff  }
0x155: {  	v6 =	vadd.s32 $0x4, v14;
	v54 =	vadd.s32 $0x210, v13;
	v58 =	vmul.f32 v2, v42;
	v2 =	vld [tilespmem:$0x1FF20]  }
0x156: {  	v52 =	vadd.s32 $0x10, v16;
	v14 =	vsel vm15, v6, v14;
	v18 =	vadd.s32 $0x8, v12;
	v63 =	vld [tilespmem:$0x1FF00]  }
0x157: {  	v47 =	vadd.s32 $0x210, v0;
	vm15 =	vlt.f32 v24, v7;
	v24 =	vsub.f32 v22, v45;
	v3 =	vld.idx.msk [tilespmem:v3+s15+$0x0], $0xffff  }
0x158: {  	v20 =	vld.idx.msk [tilespmem:v20+s15+$0x0], $0xffff;
	v22 =	vsub.f32 v39, v22;
	v12 =	vsel vm15, v18, v12;
	vm15 =	vlt.f32 v62, v9  }
0x159: {  	v16 =	vsel vm15, v52, v16;
	v15 =	vld.idx.msk [tilespmem:v15+s15+$0x0], $0xffff  }
0x15a: {  	vm6 =	vlt.f32 v24, v22;
	vm15 =	vlt.s32 v1, v59;
	v18 =	vmul.f32 v48, v2;
	v48 =	vld.idx.msk [tilespmem:v54+s15+$0x0], $0xffff  }
0x15b: {  	vm15 =	vmand vm13, vm15;
	vm13 =	veq.f32 v24, v22;
	v24 =	vpop (erf);
	v54 =	vadd.s32 $0xA50, v17;
	v2 =	vld [tilespmem:$0x1FF30]  }
0x15c: {  	v47 =	vld.idx.msk [tilespmem:v47+s15+$0x0], $0xffff;
	v57 =	vmul.f32 v57, v63;
	v3 =	vmul.f32 v3, v24  }
0x15d: {  	v62 =	vadd.s32 $0x630, v17  }
0x15e: {  	v63 =	vadd.s32 $0x213, v12;
	v6 =	vadd.f32 v57, v20;
	v3 =	vadd.f32 v3, v60  }
0x15f: {  	vm8 =	vmor vm8, vm15;
	v42 =	vadd.f32 v18, v15;
	v15 =	vadd.s32 $0xC60, v17  }
0x160: {  	(erf) = vrcp.f32 v3;
	v57 =	vmul.f32 v2, v6;
	v6 =	vadd.s32 $0x217, v16;
	v3 =	vld.idx.msk [tilespmem:v54+s15+$0x0], $0xffff  }
0x161: {  	v38 =	vsel vm8, v35, v38;
	v20 =	vsel vm8, v1, v59;
	vm8 =	vlt.f32 v47, v8;
	v2 =	vld [tilespmem:$0x1FF40]  }
0x162: {  	v35 =	vld.idx.msk [tilespmem:v62+s15+$0x0], $0xffff;
	v4 =	vsel vm8, $0x1, v21;
	v60 =	vadd.s32 $0x211, v14  }
0x163: {  	v52 =	vadd.f32 v8, v8;
	v59 =	vadd.s32 $0xE70, v17;
	v62 =	vld.idx.msk [tilespmem:v63+s15+$0x0], $0xffff;
	v17 =	vadd.s32 v4, v0  }
0x164: {  	v54 =	vadd.s32 $0x840, v17;
	v0 =	vld.idx.msk [tilespmem:v15+s15+$0x0], $0xffff  }
0x165: {  	v63 =	vmul.f32 $1.442695020e+00, v52;
	vm15 =	vlt.f32 v48, v10;
	v22 =	vld.idx.msk [tilespmem:v6+s15+$0x0], $0xffff;
	v6 =	vadd.s32 $0x630, v19  }
0x166: {  	v1 =	vmovc v19;
	v15 =	vadd.s32 $0xA50, v19;
	v19 =	vsel vm15, $0x1, v21;
	v3 =	vmul.f32 v3, v2;
	v2 =	vld [tilespmem:$0x1FF50]  }
0x167: {  	(erf) = vpow2.f32 v63;
	v47 =	vadd.s32 v19, v13;
	v13 =	vld.idx.msk [tilespmem:v60+s15+$0x0], $0xffff  }
0x168: {  	v52 =	vadd.s32 $0x4, v12;
	v59 =	vld.idx.msk [tilespmem:v59+s15+$0x0], $0xffff;
	vm15 =	vlt.f32 v62, v7;
	v60 =	vadd.s32 $0x420, v17  }
0x169: {  	v18 =	vadd.s32 $0x8, v16;
	v54 =	vld.idx.msk [tilespmem:v54+s15+$0x0], $0xffff;
	v62 =	vsel vm15, v52, v12;
	v12 =	vadd.s32 $0x210, v47  }
0x16a: {  	v48 =	vadd.s32 $0xE70, v1;
	v52 =	vadd.s32 $0x2, v14;
	v19 =	vld.idx.msk [tilespmem:v6+s15+$0x0], $0xffff;
	v6 =	vadd.s32 $0xC60, v1  }
0x16b: {  	v3 =	vadd.f32 v3, v35;
	v15 =	vld.idx.msk [tilespmem:v15+s15+$0x0], $0xffff;
	v4 =	vadd.s32 $0x211, v62;
	vm15 =	vlt.f32 v22, v9  }
0x16c: {  	v35 =	vmul.f32 v2, v42;
	v2 =	vld [tilespmem:$0x1FF60];
	v16 =	vsel vm15, v18, v16;
	vm15 =	vlt.f32 v13, v5  }
0x16d: {  	v60 =	vld.idx.msk [tilespmem:v60+s15+$0x0], $0xffff;
	v14 =	vsel vm15, v52, v14;
	vm15 =	vlt.s32 v0, v59;
	v1 =	vadd.s32 $0x213, v16  }
0x16e: {  	v42 =	vld.idx.msk [tilespmem:v12+s15+$0x0], $0xffff;
	v12 =	vadd.s32 $0x630, v27;
	vm3 =	vmand vm3, vm15  }
0x16f: {  	v18 =	vmul.f32 v26, v3;
	v52 =	vpop (erf);
	v13 =	vadd.s32 $0x210, v14;
	vm2 =	vmor vm2, vm3;
	v22 =	vld.idx.msk [tilespmem:v6+s15+$0x0], $0xffff  }
0x170: {  	v26 =	vsel vm2, v31, v32;
	v6 =	vmul.f32 v15, v25;
	v32 =	vld.idx.msk [tilespmem:v48+s15+$0x0], $0xffff;
	v48 =	vadd.s32 $0xA50, v27;
	v15 =	vpop (erf)  }
0x171: {  	v25 =	vsel vm2, v0, v59;
	v59 =	vadd.s32 $0xC60, v27;
	v0 =	vmul.f32 v54, v15;
	v54 =	vld.idx.msk [tilespmem:v4+s15+$0x0], $0xffff  }
0x172: {  	v63 =	vadd.s32 $0xA50, v36;
	v27 =	vadd.s32 $0xE70, v27;
	v4 =	vadd.f32 v10, v10;
	v1 =	vld.idx.msk [tilespmem:v1+s15+$0x0], $0xffff  }
0x173: {  	vm8 =	vlt.f32 v42, v10;
	v12 =	vld.idx.msk [tilespmem:v12+s15+$0x0], $0xffff;
	v42 =	vadd.s32 $0x630, v36;
	v0 =	vadd.f32 v0, v60  }
0x174: {  	v31 =	vadd.f32 v6, v19;
	v60 =	vmul.f32 $1.442695020e+00, v4;
	v13 =	vld.idx.msk [tilespmem:v13+s15+$0x0], $0xffff;
	v6 =	vsel vm8, $0x1, v21  }
0x175: {  	v4 =	vadd.s32 $0xC60, v36;
	v19 =	vadd.s32 v6, v47;
	(erf) = vrcp.f32 v0;
	v0 =	vld.idx.msk [tilespmem:v48+s15+$0x0], $0xffff  }
0x176: {  	v31 =	vmul.f32 v2, v31;
	v48 =	vld.idx.msk [tilespmem:v59+s15+$0x0], $0xffff;
	v6 =	vadd.s32 $0x840, v19  }
0x177: {  	v59 =	vadd.s32 $0x4, v16;
	vm15 =	vlt.f32 v1, v9;
	v1 =	vld.idx.msk [tilespmem:v27+s15+$0x0], $0xffff;
	v27 =	vadd.s32 $0xE70, v36  }
0x178: {  	(erf) = vpow2.f32 v60;
	vm2 =	vlt.f32 v54, v7;
	v60 =	vadd.s32 $0x2, v62;
	v42 =	vld.idx.msk [tilespmem:v42+s15+$0x0], $0xffff  }
0x179: {  	v36 =	vsel vm15, v59, v16;
	v16 =	vadd.s32 $0x420, v19;
	vm8 =	vlt.f32 v13, v5;
	v59 =	vld.idx.msk [tilespmem:v63+s15+$0x0], $0xffff  }
0x17a: {  	v13 =	vsel vm2, v60, v62;
	vm15 =	vlt.s32 v22, v32;
	v47 =	vld.idx.msk [tilespmem:v4+s15+$0x0], $0xffff;
	v60 =	vadd.s32 $0x211, v36  }
0x17b: {  	v4 =	vsel vm8, $0x1, v21;
	v63 =	vadd.s32 $0x210, v13;
	v54 =	vld.idx.msk [tilespmem:v6+s15+$0x0], $0xffff;
	v0 =	vmul.f32 v0, v29  }
0x17c: {  	vm1 =	vmand vm1, vm15;
	v62 =	vadd.s32 v4, v14;
	v6 =	vadd.s32 $0x630, v43;
	v2 =	vld.idx.msk [tilespmem:v27+s15+$0x0], $0xffff  }
0x17d: {  	vm0 =	vmor vm0, vm1;
	v14 =	vadd.s32 $0x630, v51;
	v3 =	vadd.f32 v0, v12;
	v0 =	vld [tilespmem:$0x1FF70]  }
0x17e: {  	v30 =	vsel vm0, v30, v28;
	v28 =	vadd.s32 $0xA50, v43;
	v16 =	vld.idx.msk [tilespmem:v16+s15+$0x0], $0xffff  }
0x17f: {  	v29 =	vsel vm0, v22, v32;
	v32 =	vadd.s32 $0xC60, v43;
	vm8 =	vlt.s32 v48, v1;
	v60 =	vld.idx.msk [tilespmem:v60+s15+$0x0], $0xffff  }
0x180: {  	v27 =	vadd.s32 $0x210, v62;
	vm0 =	vmand vm5, vm8;
	v12 =	vld.idx.msk [tilespmem:v63+s15+$0x0], $0xffff  }
0x181: {  	v43 =	vadd.s32 $0xE70, v43;
	v22 =	vpop (erf);
	vm0 =	vmor vm4, vm0;
	v4 =	vld.idx.msk [tilespmem:v6+s15+$0x0], $0xffff  }
0x182: {  	v63 =	vpop (erf);
	v41 =	vsel vm0, v41, v44;
	v44 =	vadd.s32 $0xA50, v51;
	v14 =	vld.idx.msk [tilespmem:v14+s15+$0x0], $0xffff  }
0x183: {  	v54 =	vmul.f32 v54, v63;
	v28 =	vld.idx.msk [tilespmem:v28+s15+$0x0], $0xffff  }
0x184: {  	v6 =	vsel vm0, v48, v1;
	v32 =	vld.idx.msk [tilespmem:v32+s15+$0x0], $0xffff;
	v48 =	vmul.f32 v59, v0;
	v59 =	vadd.s32 $0xA50, v53  }
0x185: {  	v27 =	vld.idx.msk [tilespmem:v27+s15+$0x0], $0xffff;
	v16 =	vadd.f32 v54, v16;
	v54 =	vadd.s32 $0xC60, v51;
	vm4 =	vlt.f32 v12, v7  }
0x186: {  	vm8 =	vlt.s32 v47, v2;
	v51 =	vadd.s32 $0xE70, v51;
	v12 =	vld.idx.msk [tilespmem:v43+s15+$0x0], $0xffff;
	v0 =	vsel vm4, $0x1, v21  }
0x187: {  	vm0 =	vmand vm12, vm8;
	v1 =	vadd.s32 v0, v13;
	v13 =	vld.idx.msk [tilespmem:v44+s15+$0x0], $0xffff  }
0x188: {  	v43 =	vadd.s32 $0x630, v53;
	vm0 =	vmor vm10, vm0;
	v28 =	vmul.f32 v28, v61;
	v61 =	vld [tilespmem:$0x1FFA0]  }
0x189: {  	v40 =	vsel vm0, v40, v50;
	v50 =	vadd.s32 $0x210, v56;
	v59 =	vld.idx.msk [tilespmem:v59+s15+$0x0], $0xffff  }
0x18a: {  	v44 =	vadd.s32 $0xC60, v53;
	vm5 =	vlt.f32 v27, v5;
	v54 =	vld.idx.msk [tilespmem:v54+s15+$0x0], $0xffff  }
0x18b: {  	(erf) = vrcp.f32 v16;
	v27 =	vsel vm5, $0x1, v21;
	v16 =	vld.idx.msk [tilespmem:v51+s15+$0x0], $0xffff  }
0x18c: {  	v27 =	vadd.s32 v27, v62;
	v62 =	vld [tilespmem:$0x1FF80]  }
0x18d: {  	vm15 =	vlt.f32 v60, v9;
	v60 =	vadd.s32 $0x2, v36;
	v0 =	vadd.s32 $0x210, v1;
	v43 =	vld.idx.msk [tilespmem:v43+s15+$0x0], $0xffff  }
0x18e: {  	v36 =	vsel vm15, v60, v36;
	v60 =	vadd.f32 v5, v5;
	v53 =	vadd.s32 $0xE70, v53;
	v50 =	vld.idx.msk [tilespmem:v50+s15+$0x0], $0xffff  }
0x18f: {  	[tilespmem:s1+$0xFFFFFF80] =	vst v58;
	v51 =	vadd.s32 $0x210, v36;
	v44 =	vld.idx.msk [tilespmem:v44+s15+$0x0], $0xffff  }
0x190: {  	v42 =	vadd.f32 v48, v42;
	v60 =	vmul.f32 $1.442695020e+00, v60;
	vm10 =	vlt.s32 v32, v12;
	[tilespmem:s0+$0xFFFFFF80] =	vst v61;
	v61 =	vld [tilespmem:$0x1FFC0]  }
0x191: {  	v2 =	vsel vm0, v47, v2;
	vm0 =	vmand vm11, vm10;
	v3 =	vmul.f32 v62, v3;
	v62 =	vld [tilespmem:$0x1FF90]  }
0x192: {  	(erf) = vpow2.f32 v60;
	v60 =	vadd.s32 $0x840, v27;
	vm0 =	vmor vm9, vm0;
	v0 =	vld.idx.msk [tilespmem:v0+s15+$0x0], $0xffff  }
0x193: {  	v4 =	vadd.f32 v28, v4;
	v48 =	vadd.s32 $0x420, v27;
	v28 =	vsel vm0, v46, v49;
	v46 =	vld.idx.msk [tilespmem:v53+s15+$0x0], $0xffff  }
0x194: {  	[tilespmem:s1+$0xFFFFFF90] =	vst v57;
	v49 =	vadd.s32 $0xA50, v56;
	v47 =	vld.idx.msk [tilespmem:v51+s15+$0x0], $0xffff  }
0x195: {  	[tilespmem:s0+$0xFFFFFF90] =	vst v55;
	v55 =	vadd.s32 $0x630, v17;
	v53 =	vld.idx.msk [tilespmem:v56+s15+$0x0], $0xffff  }
0x196: {  	v42 =	vmul.f32 v62, v42;
	v62 =	vld [tilespmem:$0x1FFB0]  }
0x197: {  	v51 =	vld.idx.msk [tilespmem:v60+s15+$0x0], $0xffff;
	v60 =	vadd.s32 $0x630, v56  }
0x198: {  	[tilespmem:s1+$0xFFFFFFA0] =	vst v35;
	v12 =	vsel vm0, v32, v12;
	v32 =	vld.idx.msk [tilespmem:v48+s15+$0x0], $0xffff;
	v48 =	vadd.s32 $0xC60, v56  }
0x199: {  	[tilespmem:s0+$0xFFFFFFA0] =	vst v38;
	v56 =	vadd.s32 $0xE70, v56;
	vm15 =	vlt.f32 v0, v7;
	v49 =	vld.idx.msk [tilespmem:v49+s15+$0x0], $0xffff;
	vm4 =	vlt.f32 v47, v9  }
0x19a: {  	[tilespmem:s1+$0xFFFFFFB0] =	vst v18;
	v13 =	vmul.f32 v13, v23;
	v58 =	vsel vm15, $0x1, v21;
	v47 =	vsel vm4, $0x1, v21;
	v21 =	vld.idx.msk [tilespmem:v55+s15+$0x0], $0xffff  }
0x19b: {  	vm12 =	vlt.s32 v54, v16;
	v0 =	vpop (erf);
	[tilespmem:s31+$0xFFFFFF80] =	vst v62;
	v62 =	vld [tilespmem:$0x1FFD0]  }
0x19c: {  	[tilespmem:s31+$0xFFFFFFA0] =	vst v20;
	v13 =	vadd.f32 v13, v14;
	vm0 =	vmand vm14, vm12;
	v23 =	vpop (erf);
	v57 =	vld.idx.msk [tilespmem:v60+s15+$0x0], $0xffff  }
0x19d: {  	v4 =	vmul.f32 v61, v4;
	v51 =	vmul.f32 v51, v23;
	v60 =	vadd.s32 $0x210, v17;
	v14 =	vld.idx.msk [tilespmem:v48+s15+$0x0], $0xffff;
	[tilespmem:s1+$0xFFFFFFE0] =	vst v42  }
0x19e: {  	v61 =	vadd.f32 v7, v7;
	v1 =	vadd.s32 v58, v1;
	v48 =	vadd.s32 $0xA50, v17;
	v35 =	vld.idx.msk [tilespmem:v56+s15+$0x0], $0xffff;
	[tilespmem:s0+$0xFFFFFFE0] =	vst v40  }
0x19f: {  	v36 =	vadd.s32 v47, v36;
	v56 =	vld [tilespmem:$0x1FFE0];
	v58 =	vadd.s32 $0x840, v1;
	v32 =	vadd.f32 v51, v32;
	[tilespmem:s31+$0xFFFFFFE0] =	vst v2  }
0x1a0: {  	vm0 =	vmor vm7, vm0;
	v38 =	vadd.s32 $0x210, v36;
	v2 =	vld [tilespmem:$0x1FFF0];
	[tilespmem:s31+$0xFFFFFF90] =	vst v62;
	v62 =	vmul.f32 $1.442695020e+00, v61  }
0x1a1: {  	[tilespmem:s0+$0xFFFFFFB0] =	vst v26;
	v26 =	vsel vm0, v37, v34;
	v47 =	vadd.s32 $0xC60, v17;
	(erf) = vrcp.f32 v32;
	v32 =	vld.idx.msk [tilespmem:v17+s15+$0x0], $0xffff  }
0x1a2: {  	[tilespmem:s1+$0xFFFFFFC0] =	vst v31;
	vm5 =	vlt.s32 v44, v46;
	v17 =	vadd.s32 $0xE70, v17;
	v20 =	vld.idx.msk [tilespmem:v60+s15+$0x0], $0xffff;
	(erf) = vpow2.f32 v62  }
0x1a3: {  	[tilespmem:s0+$0xFFFFFFC0] =	vst v30;
	v16 =	vsel vm0, v54, v16;
	vm1 =	vmand vm13, vm5;
	v34 =	vld.idx.msk [tilespmem:v48+s15+$0x0], $0xffff;
	v60 =	vadd.s32 $0x420, v1  }
0x1a4: {  	[tilespmem:s31+$0xFFFFFFC0] =	vst v29;
	v54 =	vadd.s32 $0x630, v19;
	vm7 =	vmor vm6, vm1;
	v48 =	vadd.s32 $0x210, v19;
	v55 =	vld.idx.msk [tilespmem:v58+s15+$0x0], $0xffff  }
0x1a5: {  	v30 =	vsel vm7, v45, v39;
	v29 =	vsel vm7, v44, v46;
	v46 =	vadd.f32 v9, v9;
	v38 =	vld.idx.msk [tilespmem:v38+s15+$0x0], $0xffff  }
0x1a6: {  	v13 =	vmul.f32 v56, v13;
	v56 =	vadd.s32 $0xA50, v19;
	v61 =	vmul.f32 v59, v33;
	v33 =	vld.idx.msk [tilespmem:v47+s15+$0x0], $0xffff  }
0x1a7: {  	[tilespmem:s1+$0xFFFFFFD0] =	vst v3;
	v49 =	vmul.f32 v49, v24;
	v51 =	vadd.s32 $0xC60, v27;
	v58 =	vadd.s32 $0xC60, v19;
	v17 =	vld.idx.msk [tilespmem:v17+s15+$0x0], $0xffff  }
0x1a8: {  	[tilespmem:s0+$0xFFFFFFD0] =	vst v41;
	v3 =	vsub.f32 v8, v32;
	v47 =	vimm.s32 $0x0;
	v8 =	vsub.f32 v20, v8;
	v37 =	vld.idx.msk [tilespmem:v60+s15+$0x0], $0xffff  }
0x1a9: {  	[tilespmem:s31+$0xFFFFFFD0] =	vst v6;
	v59 =	vadd.s32 $0x210, v27;
	v6 =	vld.idx.msk [tilespmem:v48+s15+$0x0], $0xffff;
	v62 =	vsub.f32 v11, v53;
	v11 =	vsub.f32 v50, v11  }
0x1aa: {  	[tilespmem:s31+$0xFFFFFFB0] =	vst v25;
	v48 =	vadd.s32 $0xA50, v27;
	v25 =	vadd.f32 v61, v43;
	vm13 =	vlt.f32 v38, v9;
	v38 =	vld.idx.msk [tilespmem:v54+s15+$0x0], $0xffff;
	v31 =	vpop (erf)  }
0x1ab: {  	vm12 =	vlt.f32 v3, v8;
	vm14 =	veq.f32 v3, v8;
	v3 =	vld.idx.msk [tilespmem:v56+s15+$0x0], $0xffff;
	vm8 =	vlt.f32 v62, v11;
	v41 =	vpop (erf)  }
0x1ac: {  	[tilespmem:s1+$0xFFFFFFF0] =	vst v4;
	vm9 =	veq.f32 v62, v11;
	v11 =	vld.idx.msk [tilespmem:v19+s15+$0x0], $0xffff;
	v19 =	vadd.s32 $0xE70, v19;
	v60 =	vmul.f32 v55, v41  }
0x1ad: {  	[tilespmem:s0+$0xFFFFFFF0] =	vst v28;
	v61 =	vsel vm13, $0x1, v47;
	v62 =	vadd.s32 $0x630, v27;
	v2 =	vmul.f32 v2, v25;
	v25 =	vld.idx.msk [tilespmem:v58+s15+$0x0], $0xffff  }
0x1ae: {  	v4 =	vadd.f32 v49, v57;
	v28 =	vadd.s32 v61, v36;
	v36 =	vld.idx.msk [tilespmem:v27+s15+$0x0], $0xffff;
	v37 =	vadd.f32 v60, v37  }
0x1af: {  	[tilespmem:s31+$0xFFFFFFF0] =	vst v12;
	v40 =	vmul.f32 $1.442695020e+00, v46;
	vm10 =	vlt.s32 v14, v35;
	v27 =	vadd.s32 $0xE70, v27;
	v12 =	vld.idx.msk [tilespmem:v59+s15+$0x0], $0xffff  }
0x1b0: {  	v4 =	vmul.f32 v52, v4;
	v61 =	vadd.s32 $0xA50, v1;
	v57 =	vld.idx.msk [tilespmem:v48+s15+$0x0], $0xffff;
	(erf) = vrcp.f32 v37  }
0x1b1: {  	[tilespmem:s1+$0x0] =	vst v13;
	v56 =	vmul.f32 v34, v15;
	v54 =	vadd.s32 $0x840, v28;
	v18 =	vld.idx.msk [tilespmem:v19+s15+$0x0], $0xffff;
	(erf) = vpow2.f32 v40  }
0x1b2: {  	[tilespmem:s0+$0x0] =	vst v26;
	vm11 =	vmand vm9, vm10;
	vm15 =	vlt.s32 v33, v17;
	v58 =	vadd.s32 $0x420, v28;
	v8 =	vld.idx.msk [tilespmem:v62+s15+$0x0], $0xffff  }
0x1b3: {  	[tilespmem:s31+$0x0] =	vst v16;
	v59 =	vadd.s32 $0x210, v1;
	v13 =	vadd.f32 v56, v21;
	vm1 =	vmor vm8, vm11;
	v19 =	vld.idx.msk [tilespmem:v51+s15+$0x0], $0xffff  }
0x1b4: {  	v45 =	vadd.s32 $0x210, v28;
	v49 =	vadd.s32 $0xA50, v28;
	[tilespmem:s1+$0x10] =	vst v2;
	v14 =	vsel vm1, v14, v35;
	v16 =	vld.idx.msk [tilespmem:v27+s15+$0x0], $0xffff  }
0x1b5: {  	v3 =	vmul.f32 v3, v63;
	v2 =	vsub.f32 v10, v11;
	v10 =	vsub.f32 v6, v10;
	v48 =	vld.idx.msk [tilespmem:v61+s15+$0x0], $0xffff  }
0x1b6: {  	v13 =	vmul.f32 v22, v13;
	v44 =	vsub.f32 v5, v36;
	v51 =	vadd.s32 $0x630, v28;
	v62 =	vld.idx.msk [tilespmem:v54+s15+$0x0], $0xffff  }
0x1b7: {  	v42 =	vld.idx.msk [tilespmem:v58+s15+$0x0], $0xffff;
	v5 =	vsub.f32 v12, v5;
	v3 =	vadd.f32 v3, v38;
	vm4 =	veq.f32 v2, v10  }
0x1b8: {  	v24 =	vld.idx.msk [tilespmem:v59+s15+$0x0], $0xffff;
	vm6 =	vlt.f32 v2, v10;
	v15 =	vmul.f32 v57, v23;
	v60 =	vadd.s32 $0x630, v1  }
0x1b9: {  	[tilespmem:s1+$0x20] =	vst v4;
	v54 =	vld.idx.msk [tilespmem:v28+s15+$0x0], $0xffff;
	v55 =	vsel vm1, v53, v50;
	vm1 =	vmand vm14, vm15;
	vm7 =	vlt.f32 v44, v5;
	v43 =	vpop (erf)  }
0x1ba: {  	[tilespmem:s0+$0x10] =	vst v30;
	v4 =	vld.idx.msk [tilespmem:v45+s15+$0x0], $0xffff;
	vm8 =	veq.f32 v44, v5;
	v53 =	vadd.s32 $0xC60, v28;
	v40 =	vadd.s32 $0xC60, v1;
	v46 =	vpop (erf)  }
0x1bb: {  	[tilespmem:s31+$0x10] =	vst v29;
	vm0 =	vmor vm12, vm1;
	v37 =	vld.idx.msk [tilespmem:v1+s15+$0x0], $0xffff;
	v1 =	vadd.s32 $0xE70, v1;
	v27 =	vmul.f32 v62, v46  }
0x1bc: {  	v57 =	vld.idx.msk [tilespmem:v49+s15+$0x0], $0xffff;
	v0 =	vmul.f32 v0, v3;
	[tilespmem:s0+$0x20] =	vst v55;
	v55 =	vadd.s32 $0xE70, v28;
	v20 =	vsel vm0, v32, v20  }
0x1bd: {  	v17 =	vsel vm0, v33, v17;
	vm5 =	vlt.s32 v25, v18;
	v2 =	vld.idx.msk [tilespmem:v60+s15+$0x0], $0xffff;
	v52 =	vadd.f32 v27, v42  }
0x1be: {  	[tilespmem:s31+$0x20] =	vst v14;
	v8 =	vadd.f32 v15, v8;
	v58 =	vmul.f32 v48, v41;
	v14 =	vld.idx.msk [tilespmem:v51+s15+$0x0], $0xffff;
	vm1 =	vmand vm4, vm5  }
0x1bf: {  	[tilespmem:s1+$0x30] =	vst v13;
	vm9 =	vlt.s32 v19, v16;
	vm1 =	vmor vm6, vm1;
	v50 =	vld.idx.msk [tilespmem:v40+s15+$0x0], $0xffff;
	(erf) = vrcp.f32 v52  }
0x1c0: {  	[tilespmem:s1+$0x40] =	vst v0;
	v6 =	vsel vm1, v11, v6;
	v56 =	vsel vm1, v25, v18;
	v1 =	vld.idx.msk [tilespmem:v1+s15+$0x0], $0xffff  }
0x1c1: {  	[tilespmem:s0+$0x30] =	vst v20;
	vm1 =	vmand vm8, vm9;
	v0 =	vld.idx.msk [tilespmem:v53+s15+$0x0], $0xffff;
	v3 =	vsub.f32 v7, v37;
	v7 =	vsub.f32 v24, v7  }
0x1c2: {  	[tilespmem:s31+$0x30] =	vst v17;
	vm0 =	vmor vm7, vm1;
	v59 =	vld.idx.msk [tilespmem:v55+s15+$0x0], $0xffff;
	v2 =	vadd.f32 v58, v2  }
0x1c3: {  	[tilespmem:s0+$0x40] =	vst v6;
	vm10 =	vlt.f32 v3, v7;
	vm11 =	veq.f32 v3, v7;
	v3 =	vmul.f32 v31, v8  }
0x1c4: {  	[tilespmem:s31+$0x40] =	vst v56;
	v60 =	vsel vm0, v36, v12;
	v2 =	vmul.f32 v43, v2  }
0x1c5: {  	v61 =	vsel vm0, v19, v16;
	[tilespmem:s1+$0x50] =	vst v3;
	vm12 =	vlt.s32 v50, v1;
	v3 =	vmul.f32 v57, v46  }
0x1c6: {  	[tilespmem:s0+$0x50] =	vst v60;
	v62 =	vsub.f32 v9, v54;
	v9 =	vsub.f32 v4, v9;
	vm0 =	vmand vm11, vm12  }
0x1c7: {  	s30 =	sadd.s32 $0x10, s30;
	vm14 =	vlt.s32 v0, v59;
	[tilespmem:s31+$0x50] =	vst v61;
	vm0 =	vmor vm10, vm0;
	v3 =	vadd.f32 v3, v14  }
0x1c8: {  	p0 =	slt.u32 s30, $0x80;
	[tilespmem:s1+$0x60] =	vst v2;
	vm13 =	veq.f32 v62, v9;
	vm15 =	vlt.f32 v62, v9;
	v63 =	vsel vm0, v37, v24;
	v2 =	vpop (erf)  }
.Ltmp0:
0x1c9: {  	v1 =	vsel vm0, v50, v1;
	vm0 =	vmand vm13, vm14;
	[tilespmem:s0+$0x60] =	vst v63;
	v2 =	vmul.f32 v2, v3;
	(pc) =	sbr.rel @p0 .LBB2_2-.Ltmp0, $4  }
0x1ca: {  	vm0 =	vmor vm15, vm0;
	[tilespmem:s31+$0x60] =	vst v1  }
0x1cb: {  	v1 =	vsel vm0, v54, v4;
	[tilespmem:s1+$0x70] =	vst v2  }
0x1cc: {  	s16 =	sadd.s32 $0x100, s16;
	v0 =	vsel vm0, v0, v59;
	[tilespmem:s0+$0x70] =	vst v1  }
0x1cd: {  	s1 =	sadd.s32 $0x100, s1;
	s0 =	sadd.s32 $0x100, s0;
	[tilespmem:s31+$0x70] =	vst v0;
	v0 =	vimm.s32 $0x30F;
	s31 =	sadd.s32 $0x100, s31  }
0x1ce: {  	[hbm4b:s7+s19] =	stream.strided.scatter [tilespmem:s20], [sflag:$0x3], $0x900, s14, s19, $0x38;
	[tilespmem:$0x6900] =	vst v63  }
0x1cf: {  	_ = 	snop  }
0x1d0: {  	[hbm4b:s8+s19] =	stream.strided.scatter [tilespmem:s21], [sflag:$0x3], $0x900, s14, s19, $0x38;
	[tilespmem:$0x6900] =	vst v63  }
0x1d1: {  	_ = 	snop  }
0x1d2: {  	[hbm4b:s9+s19] =	stream.strided.scatter [tilespmem:s22], [sflag:$0x3], $0x900, s14, s19, $0x38;
	[tilespmem:$0x6900] =	vst v63  }
0x1d3: {  	_ =	swait.ge [sflag:s23], $0x900  }
0x1d4: {  	[sflag:s23] =	ssyncset.done $0x0  }
0x1d5: {  	[sflag:s23] =	ssyncadd.s32 $0xFFFFF700  }
0x1d6: {  	s30 =	simm.s32 $0xFFFFFFF0;
	_ =	swait.ge [sflag:s23], $0x1080  }
0x1d7: {  	s31 =	simm.s32 $0x6080;
	s0 =	simm.s32 $0x4E80;
	[sflag:s23] =	ssyncset.done $0x0  }
0x1d8: {  	s1 =	simm.s32 $0x3C80;
	s16 =	simm.s32 $0x980;
	[sflag:s23] =	ssyncadd.s32 $0xFFFFEF80  }
.LBB2_4:
0x1d9: {  	_ =	sdelay $0x2  }
0x1da: {  	v4 =	vld [tilespmem:s16+$0xFFFFFF80]  }
0x1db: {  	v6 =	vld.idx.msk [tilespmem:v0+s17+$0x0], $0xffff;
	_ =	sdelay $0x4  }
0x1dc: {  	vm0 =	vlt.f32 v6, v4  }
0x1dd: {  	v0 =	vsel vm0, $0x100, v47  }
0x1de: {  	v1 =	vor.u32 $0x28F, v0;
	_ =	sdelay $0x3  }
0x1df: {  	v3 =	vld [tilespmem:s16+$0xFFFFFF90]  }
0x1e0: {  	v1 =	vld.idx.msk [tilespmem:v1+s17+$0x0], $0xffff;
	_ =	sdelay $0x3  }
0x1e1: {  	vm15 =	vlt.f32 v6, v3  }
0x1e2: {  	v2 =	vsel vm15, $0x100, v47;
	vm14 =	vlt.f32 v1, v4;
	v1 =	vor.u32 $0x80, v0  }
0x1e3: {  	v5 =	vor.u32 $0x28F, v2;
	v0 =	vsel vm14, v1, v0  }
0x1e4: {  	v1 =	vor.u32 $0x24F, v0;
	_ =	sdelay $0x3  }
0x1e5: {  	v5 =	vld.idx.msk [tilespmem:v5+s17+$0x0], $0xffff  }
0x1e6: {  	v1 =	vld.idx.msk [tilespmem:v1+s17+$0x0], $0xffff;
	_ =	sdelay $0x3  }
0x1e7: {  	v18 =	vor.u32 $0x80, v2;
	vm5 =	vlt.f32 v5, v3  }
0x1e8: {  	v2 =	vsel vm5, v18, v2;
	vm4 =	vlt.f32 v1, v4;
	v1 =	vor.u32 $0x40, v0  }
0x1e9: {  	v7 =	vor.u32 $0x24F, v2;
	v0 =	vsel vm4, v1, v0  }
0x1ea: {  	v1 =	vor.u32 $0x22F, v0  }
0x1eb: {  	v5 =	vld [tilespmem:s16+$0xFFFFFFA0];
	_ =	sdelay $0x2  }
0x1ec: {  	v7 =	vld.idx.msk [tilespmem:v7+s17+$0x0], $0xffff  }
0x1ed: {  	v1 =	vld.idx.msk [tilespmem:v1+s17+$0x0], $0xffff  }
0x1ee: {  	vm7 =	vlt.f32 v6, v5  }
0x1ef: {  	v8 =	vsel vm7, $0x100, v47  }
0x1f0: {  	v9 =	vor.u32 $0x28F, v8  }
0x1f1: {  	v19 =	vor.u32 $0x40, v2;
	vm8 =	vlt.f32 v7, v3  }
0x1f2: {  	v2 =	vsel vm8, v19, v2;
	vm6 =	vlt.f32 v1, v4;
	v1 =	vor.u32 $0x20, v0  }
0x1f3: {  	v7 =	vor.u32 $0x22F, v2;
	v0 =	vsel vm6, v1, v0  }
0x1f4: {  	v1 =	vadd.s32 $0x21F, v0  }
0x1f5: {  	v9 =	vld.idx.msk [tilespmem:v9+s17+$0x0], $0xffff;
	_ =	sdelay $0x2  }
0x1f6: {  	v7 =	vld.idx.msk [tilespmem:v7+s17+$0x0], $0xffff  }
0x1f7: {  	v1 =	vld.idx.msk [tilespmem:v1+s17+$0x0], $0xffff  }
0x1f8: {  	v20 =	vor.u32 $0x80, v8;
	vm10 =	vlt.f32 v9, v5  }
0x1f9: {  	v8 =	vsel vm10, v20, v8  }
0x1fa: {  	v9 =	vor.u32 $0x24F, v8  }
0x1fb: {  	v21 =	vor.u32 $0x20, v2;
	vm11 =	vlt.f32 v7, v3  }
0x1fc: {  	v2 =	vsel vm11, v21, v2;
	vm9 =	vlt.f32 v1, v4;
	v1 =	vadd.s32 $0x10, v0  }
0x1fd: {  	v7 =	vadd.s32 $0x21F, v2;
	v0 =	vsel vm9, v1, v0  }
0x1fe: {  	v1 =	vadd.s32 $0x217, v0  }
0x1ff: {  	v9 =	vld.idx.msk [tilespmem:v9+s17+$0x0], $0xffff;
	_ =	sdelay $0x1  }
0x200: {  	v33 =	vld [tilespmem:s16+$0xFFFFFFB0]  }
0x201: {  	v7 =	vld.idx.msk [tilespmem:v7+s17+$0x0], $0xffff  }
0x202: {  	v1 =	vld.idx.msk [tilespmem:v1+s17+$0x0], $0xffff  }
0x203: {  	v22 =	vor.u32 $0x40, v8;
	vm13 =	vlt.f32 v9, v5  }
0x204: {  	v8 =	vsel vm13, v22, v8  }
0x205: {  	vm12 =	vlt.f32 v6, v33;
	v9 =	vor.u32 $0x22F, v8  }
0x206: {  	v10 =	vsel vm12, $0x100, v47;
	v23 =	vadd.s32 $0x10, v2  }
0x207: {  	vm14 =	vlt.f32 v7, v3;
	vm1 =	vlt.f32 v1, v4;
	v1 =	vadd.s32 $0x8, v0  }
0x208: {  	v2 =	vsel vm14, v23, v2;
	v0 =	vsel vm1, v1, v0;
	v1 =	vor.u32 $0x28F, v10  }
0x209: {  	v12 =	vadd.s32 $0x217, v2  }
0x20a: {  	v9 =	vld.idx.msk [tilespmem:v9+s17+$0x0], $0xffff  }
0x20b: {  	v7 =	vld [tilespmem:s16+$0xFFFFFFC0];
	v11 =	vadd.s32 $0x213, v0;
	_ =	sdelay $0x1  }
0x20c: {  	v1 =	vld.idx.msk [tilespmem:v1+s17+$0x0], $0xffff  }
0x20d: {  	v12 =	vld.idx.msk [tilespmem:v12+s17+$0x0], $0xffff;
	_ =	sdelay $0x1  }
0x20e: {  	v25 =	vor.u32 $0x20, v8;
	vm5 =	vlt.f32 v9, v5;
	vm6 =	vlt.f32 v6, v7;
	v11 =	vld.idx.msk [tilespmem:v11+s17+$0x0], $0xffff  }
0x20f: {  	v26 =	vadd.s32 $0x8, v2;
	v8 =	vsel vm5, v25, v8;
	v13 =	vsel vm6, $0x100, v47  }
0x210: {  	v9 =	vadd.s32 $0x21F, v8;
	vm15 =	vlt.f32 v1, v33;
	v1 =	vor.u32 $0x80, v10  }
0x211: {  	v14 =	vor.u32 $0x28F, v13;
	vm7 =	vlt.f32 v12, v3;
	v1 =	vsel vm15, v1, v10  }
0x212: {  	v2 =	vsel vm7, v26, v2;
	v10 =	vor.u32 $0x24F, v1  }
0x213: {  	v24 =	vadd.s32 $0x4, v0;
	v12 =	vadd.s32 $0x213, v2;
	vm4 =	vlt.f32 v11, v4  }
0x214: {  	v0 =	vsel vm4, v24, v0  }
0x215: {  	v9 =	vld.idx.msk [tilespmem:v9+s17+$0x0], $0xffff;
	v11 =	vadd.s32 $0x211, v0  }
0x216: {  	v29 =	vld.idx.msk [tilespmem:v14+s17+$0x0], $0xffff  }
0x217: {  	v10 =	vld.idx.msk [tilespmem:v10+s17+$0x0], $0xffff  }
0x218: {  	v12 =	vld.idx.msk [tilespmem:v12+s17+$0x0], $0xffff;
	_ =	sdelay $0x1  }
0x219: {  	v32 =	vadd.s32 $0x10, v8;
	v34 =	vor.u32 $0x80, v13;
	v11 =	vld.idx.msk [tilespmem:v11+s17+$0x0], $0xffff  }
0x21a: {  	v36 =	vadd.s32 $0x4, v2;
	vm10 =	vlt.f32 v9, v5;
	vm11 =	vlt.f32 v29, v7  }
0x21b: {  	v9 =	vld [tilespmem:s16+$0xFFFFFFD0];
	v13 =	vsel vm11, v34, v13;
	v27 =	vor.u32 $0x40, v1;
	vm8 =	vlt.f32 v10, v33  }
0x21c: {  	v15 =	vor.u32 $0x24F, v13;
	vm12 =	vlt.f32 v12, v3;
	v1 =	vsel vm8, v27, v1  }
0x21d: {  	v8 =	vsel vm10, v32, v8;
	v2 =	vsel vm12, v36, v2;
	v30 =	vor.u32 $0x22F, v1  }
0x21e: {  	v28 =	vadd.s32 $0x2, v0;
	v12 =	vadd.s32 $0x211, v2;
	vm9 =	vlt.f32 v11, v4  }
0x21f: {  	v35 =	vadd.s32 $0x217, v8;
	v0 =	vsel vm9, v28, v0  }
0x220: {  	vm15 =	vlt.f32 v6, v9;
	v31 =	vadd.s32 $0x210, v0  }
0x221: {  	v38 =	vld.idx.msk [tilespmem:v15+s17+$0x0], $0xffff;
	v16 =	vsel vm15, $0x100, v47  }
0x222: {  	v41 =	vor.u32 $0x28F, v16;
	v11 =	vld.idx.msk [tilespmem:v30+s17+$0x0], $0xffff  }
0x223: {  	v12 =	vld.idx.msk [tilespmem:v12+s17+$0x0], $0xffff  }
0x224: {  	v10 =	vld.idx.msk [tilespmem:v35+s17+$0x0], $0xffff  }
0x225: {  	v14 =	vld.idx.msk [tilespmem:v31+s17+$0x0], $0xffff  }
0x226: {  	v42 =	vadd.s32 $0x8, v8;
	v43 =	vor.u32 $0x40, v13;
	v45 =	vadd.s32 $0x2, v2  }
0x227: {  	v48 =	vor.u32 $0x80, v16;
	v15 =	vld.idx.msk [tilespmem:v41+s17+$0x0], $0xffff;
	v37 =	vor.u32 $0x20, v1;
	vm13 =	vlt.f32 v11, v33  }
0x228: {  	vm5 =	vlt.f32 v38, v7;
	vm6 =	vlt.f32 v12, v3;
	v1 =	vsel vm13, v37, v1  }
0x229: {  	v2 =	vsel vm6, v45, v2;
	vm4 =	vlt.f32 v10, v5;
	v39 =	vadd.s32 $0x21F, v1  }
0x22a: {  	v12 =	vadd.s32 $0x210, v2;
	v8 =	vsel vm4, v42, v8;
	vm14 =	vlt.f32 v14, v4  }
0x22b: {  	v10 =	vsel vm5, v43, v13;
	v44 =	vadd.s32 $0x213, v8;
	v40 =	vsel vm14, $0x1, v47  }
0x22c: {  	vm8 =	vlt.f32 v15, v9;
	v13 =	vor.u32 $0x22F, v10;
	v0 =	vadd.s32 v40, v0  }
0x22d: {  	v18 =	vld [tilespmem:s16+$0xFFFFFFE0];
	v15 =	vsel vm8, v48, v16;
	v17 =	vadd.s32 $0x210, v0  }
0x22e: {  	v50 =	vor.u32 $0x24F, v15;
	v14 =	vld.idx.msk [tilespmem:v39+s17+$0x0], $0xffff  }
0x22f: {  	v12 =	vld.idx.msk [tilespmem:v12+s17+$0x0], $0xffff  }
0x230: {  	v19 =	vadd.f32 v4, v4;
	v11 =	vld.idx.msk [tilespmem:v44+s17+$0x0], $0xffff  }
0x231: {  	v13 =	vld.idx.msk [tilespmem:v13+s17+$0x0], $0xffff  }
0x232: {  	v53 =	vmul.f32 $1.442695020e+00, v19;
	vm12 =	vlt.f32 v6, v18;
	v17 =	vld.idx.msk [tilespmem:v17+s17+$0x0], $0xffff  }
0x233: {  	v57 =	vsel vm12, $0x100, v47;
	v55 =	vld.idx.msk [tilespmem:v50+s17+$0x0], $0xffff;
	v46 =	vadd.s32 $0x10, v1;
	vm7 =	vlt.f32 v14, v33  }
0x234: {  	v21 =	vor.u32 $0x28F, v57;
	v61 =	vor.u32 $0x40, v15;
	v1 =	vsel vm7, v46, v1  }
0x235: {  	v51 =	vadd.s32 $0x4, v8;
	vm10 =	vlt.f32 v11, v5;
	v14 =	vadd.s32 $0x217, v1  }
0x236: {  	v52 =	vor.u32 $0x20, v10;
	vm13 =	vlt.f32 v12, v3;
	v8 =	vsel vm10, v51, v8  }
0x237: {  	vm11 =	vlt.f32 v13, v7;
	v54 =	vadd.s32 $0x211, v8;
	vm9 =	vlt.f32 v17, v4  }
0x238: {  	vm15 =	vlt.f32 v55, v9;
	v10 =	vsel vm11, v52, v10;
	v49 =	vsel vm9, $0x1, v47  }
0x239: {  	v13 =	vsel vm15, v61, v15;
	v11 =	vadd.s32 v49, v0;
	v0 =	vadd.s32 $0x21F, v10  }
0x23a: {  	v20 =	vsel vm13, $0x1, v47;
	v15 =	vor.u32 $0x22F, v13;
	v14 =	vld.idx.msk [tilespmem:v14+s17+$0x0], $0xffff  }
0x23b: {  	(erf) = vpow2.f32 v53;
	v21 =	vld.idx.msk [tilespmem:v21+s17+$0x0], $0xffff;
	v2 =	vadd.s32 v20, v2;
	v16 =	vadd.s32 $0x840, v11  }
0x23c: {  	v22 =	vadd.s32 $0x210, v2;
	v19 =	vld.idx.msk [tilespmem:v54+s17+$0x0], $0xffff  }
0x23d: {  	v56 =	vadd.s32 $0x420, v11  }
0x23e: {  	v0 =	vld.idx.msk [tilespmem:v0+s17+$0x0], $0xffff  }
0x23f: {  	v15 =	vld.idx.msk [tilespmem:v15+s17+$0x0], $0xffff;
	v58 =	vadd.s32 $0x8, v1;
	vm14 =	vlt.f32 v14, v33  }
0x240: {  	v24 =	vor.u32 $0x80, v57;
	vm6 =	vlt.f32 v21, v18;
	v59 =	vld.idx.msk [tilespmem:v16+s17+$0x0], $0xffff;
	v1 =	vsel vm14, v58, v1  }
0x241: {  	v62 =	vadd.s32 $0x2, v8;
	v22 =	vld.idx.msk [tilespmem:v22+s17+$0x0], $0xffff;
	vm4 =	vlt.f32 v19, v5;
	v60 =	vadd.s32 $0x213, v1  }
0x242: {  	v12 =	vsel vm6, v24, v57;
	v8 =	vsel vm4, v62, v8;
	v17 =	vld.idx.msk [tilespmem:v56+s17+$0x0], $0xffff  }
0x243: {  	v19 =	vadd.s32 $0x210, v8;
	vm5 =	vlt.f32 v0, v7;
	v0 =	vadd.s32 $0x10, v10  }
0x244: {  	v63 =	vpop (erf);
	v25 =	vor.u32 $0x24F, v12;
	v32 =	vor.u32 $0x20, v13;
	v0 =	vsel vm5, v0, v10  }
0x245: {  	v23 =	vld [tilespmem:s16+$0xFFFFFFF0];
	vm9 =	vlt.f32 v15, v9;
	v14 =	vmul.f32 v59, v63;
	v10 =	vadd.s32 $0x217, v0  }
0x246: {  	v29 =	vadd.f32 v3, v3;
	v13 =	vsel vm9, v32, v13;
	v16 =	vld.idx.msk [tilespmem:v60+s17+$0x0], $0xffff  }
0x247: {  	vm7 =	vlt.f32 v22, v3;
	v35 =	vadd.s32 $0x21F, v13;
	v14 =	vadd.f32 v14, v17  }
0x248: {  	v28 =	vsel vm7, $0x1, v47;
	v26 =	vld.idx.msk [tilespmem:v19+s17+$0x0], $0xffff  }
0x249: {  	v39 =	vadd.s32 v28, v2;
	v2 =	vmul.f32 $1.442695020e+00, v29;
	(erf) = vrcp.f32 v14;
	v14 =	vld.idx.msk [tilespmem:v25+s17+$0x0], $0xffff  }
0x24a: {  	vm10 =	vlt.f32 v6, v23;
	v27 =	vadd.s32 $0x4, v1;
	v30 =	vld.idx.msk [tilespmem:v10+s17+$0x0], $0xffff  }
0x24b: {  	(erf) = vpow2.f32 v2;
	v2 =	vsel vm10, $0x100, v47;
	vm8 =	vlt.f32 v16, v33  }
0x24c: {  	v19 =	vld.idx.msk [tilespmem:v35+s17+$0x0], $0xffff;
	v37 =	vor.u32 $0x28F, v2;
	v1 =	vsel vm8, v27, v1  }
0x24d: {  	v42 =	vor.u32 $0x40, v12;
	v34 =	vadd.s32 $0x840, v39;
	v31 =	vadd.s32 $0x211, v1  }
0x24e: {  	v38 =	vadd.s32 $0x420, v39;
	v36 =	vadd.s32 $0x8, v0;
	vm13 =	vlt.f32 v14, v18  }
0x24f: {  	vm11 =	vlt.f32 v26, v5;
	v26 =	vsel vm13, v42, v12;
	vm12 =	vlt.f32 v30, v7  }
0x250: {  	v44 =	vor.u32 $0x22F, v26;
	v0 =	vsel vm12, v36, v0  }
0x251: {  	v52 =	vadd.s32 $0x10, v13;
	vm15 =	vlt.f32 v19, v9;
	v17 =	vld.idx.msk [tilespmem:v37+s17+$0x0], $0xffff;
	v41 =	vadd.s32 $0x213, v0  }
0x252: {  	v24 =	vsel vm11, $0x1, v47;
	v13 =	vsel vm15, v52, v13;
	v22 =	vld.idx.msk [tilespmem:v31+s17+$0x0], $0xffff  }
0x253: {  	v43 =	vld.idx.msk [tilespmem:v34+s17+$0x0], $0xffff;
	v40 =	vadd.s32 v24, v8;
	v19 =	vadd.s32 $0x217, v13  }
0x254: {  	v21 =	vld.idx.msk [tilespmem:v38+s17+$0x0], $0xffff;
	v25 =	vadd.s32 $0x210, v40  }
0x255: {  	v27 =	vld.idx.msk [tilespmem:v44+s17+$0x0], $0xffff  }
0x256: {  	v53 =	vor.u32 $0x80, v2;
	vm4 =	vlt.f32 v17, v23;
	v48 =	vld.idx.msk [tilespmem:v41+s17+$0x0], $0xffff  }
0x257: {  	v24 =	vld [tilespmem:s16+$0x0];
	v45 =	vadd.s32 $0x2, v1;
	v2 =	vsel vm4, v53, v2;
	vm14 =	vlt.f32 v22, v33  }
0x258: {  	v60 =	vld.idx.msk [tilespmem:v19+s17+$0x0], $0xffff;
	v56 =	vor.u32 $0x24F, v2;
	v1 =	vsel vm14, v45, v1  }
0x259: {  	v50 =	vld.idx.msk [tilespmem:v25+s17+$0x0], $0xffff;
	v46 =	vpop (erf);
	v51 =	vadd.s32 $0x210, v1  }
0x25a: {  	v61 =	vor.u32 $0x20, v26;
	v55 =	vadd.s32 $0x4, v0;
	v49 =	vpop (erf);
	vm7 =	vlt.f32 v27, v18  }
0x25b: {  	[tilespmem:$0x1FDC0] =	vst v63;
	v14 =	vmul.f32 v43, v49;
	v63 =	vsel vm7, v61, v26;
	vm5 =	vlt.f32 v48, v7  }
0x25c: {  	v54 =	vadd.f32 v5, v5;
	v19 =	vadd.s32 $0x21F, v63;
	v0 =	vsel vm5, v55, v0  }
0x25d: {  	v35 =	vadd.s32 $0x8, v13;
	v14 =	vadd.f32 v14, v21;
	v21 =	vld.idx.msk [tilespmem:v56+s17+$0x0], $0xffff;
	v59 =	vadd.s32 $0x211, v0  }
0x25e: {  	vm12 =	vlt.f32 v6, v24;
	vm9 =	vlt.f32 v60, v9;
	vm6 =	vlt.f32 v50, v5;
	v57 =	vld.idx.msk [tilespmem:v51+s17+$0x0], $0xffff  }
0x25f: {  	v29 =	vsel vm12, $0x100, v47;
	v16 =	vsel vm9, v35, v13;
	v58 =	vsel vm6, $0x1, v47  }
0x260: {  	v30 =	vor.u32 $0x28F, v29;
	v37 =	vadd.s32 $0x213, v16;
	v20 =	vadd.s32 v58, v40  }
0x261: {  	v17 =	vmul.f32 $1.442695020e+00, v54;
	v62 =	vadd.s32 $0x840, v20;
	v32 =	vadd.s32 $0x420, v20;
	v19 =	vld.idx.msk [tilespmem:v19+s17+$0x0], $0xffff  }
0x262: {  	v38 =	vor.u32 $0x40, v2;
	(erf) = vrcp.f32 v14;
	vm10 =	vlt.f32 v21, v23;
	v22 =	vld.idx.msk [tilespmem:v59+s17+$0x0], $0xffff  }
0x263: {  	(erf) = vpow2.f32 v17;
	v2 =	vsel vm10, v38, v2;
	vm8 =	vlt.f32 v57, v33  }
0x264: {  	v28 =	vor.u32 $0x22F, v2;
	v34 =	vsel vm8, $0x1, v47  }
0x265: {  	v27 =	vld.idx.msk [tilespmem:v37+s17+$0x0], $0xffff;
	v1 =	vadd.s32 v34, v1  }
0x266: {  	v25 =	vld.idx.msk [tilespmem:v62+s17+$0x0], $0xffff;
	v48 =	vadd.s32 $0x10, v63;
	vm13 =	vlt.f32 v19, v18;
	v36 =	vadd.s32 $0x210, v1  }
0x267: {  	v41 =	vld.idx.msk [tilespmem:v32+s17+$0x0], $0xffff;
	v42 =	vadd.s32 $0x2, v0;
	v19 =	vsel vm13, v48, v63;
	vm11 =	vlt.f32 v22, v7  }
0x268: {  	v55 =	vld.idx.msk [tilespmem:v30+s17+$0x0], $0xffff;
	v50 =	vadd.s32 $0x217, v19;
	v0 =	vsel vm11, v42, v0  }
0x269: {  	[tilespmem:$0x1FDE0] =	vst v46;
	v51 =	vld.idx.msk [tilespmem:v28+s17+$0x0], $0xffff;
	v46 =	vadd.s32 $0x210, v0  }
0x26a: {  	v22 =	vld [tilespmem:s16+$0x10]  }
0x26b: {  	v40 =	vpop (erf);
	v45 =	vld.idx.msk [tilespmem:v36+s17+$0x0], $0xffff  }
0x26c: {  	v54 =	vadd.s32 $0x4, v16;
	vm15 =	vlt.f32 v27, v9;
	v43 =	vpop (erf)  }
0x26d: {  	v16 =	vsel vm15, v54, v16;
	v44 =	vmul.f32 v25, v43;
	v21 =	vld.idx.msk [tilespmem:v50+s17+$0x0], $0xffff  }
0x26e: {  	v60 =	vor.u32 $0x80, v29;
	v26 =	vadd.s32 $0x211, v16;
	vm6 =	vlt.f32 v55, v24;
	v52 =	vld.idx.msk [tilespmem:v46+s17+$0x0], $0xffff  }
0x26f: {  	[tilespmem:$0x1FDD0] =	vst v49;
	v56 =	vor.u32 $0x20, v2;
	v49 =	vadd.f32 v44, v41;
	v61 =	vadd.s32 $0x8, v19  }
0x270: {  	vm4 =	vlt.f32 v51, v23;
	vm8 =	vlt.f32 v6, v22;
	vm14 =	vlt.f32 v45, v33  }
0x271: {  	v2 =	vsel vm4, v56, v2;
	v63 =	vsel vm8, $0x100, v47;
	v53 =	vsel vm14, $0x1, v47  }
0x272: {  	v59 =	vadd.s32 $0x21F, v2;
	v17 =	vadd.s32 v53, v1;
	v1 =	vadd.f32 v33, v33  }
0x273: {  	v32 =	vor.u32 $0x28F, v63;
	vm7 =	vlt.f32 v21, v18;
	vm5 =	vlt.f32 v52, v7  }
0x274: {  	v21 =	vsel vm7, v61, v19;
	v31 =	vsel vm5, $0x1, v47;
	v1 =	vmul.f32 $1.442695020e+00, v1  }
0x275: {  	(erf) = vrcp.f32 v49;
	v19 =	vadd.s32 $0x213, v21;
	v0 =	vadd.s32 v31, v0  }
0x276: {  	v62 =	vadd.s32 $0x210, v0;
	(erf) = vpow2.f32 v1;
	v1 =	vsel vm6, v60, v29  }
0x277: {  	v26 =	vld.idx.msk [tilespmem:v26+s17+$0x0], $0xffff;
	v27 =	vor.u32 $0x24F, v1  }
0x278: {  	v25 =	vld.idx.msk [tilespmem:v59+s17+$0x0], $0xffff;
	v58 =	vadd.s32 $0x840, v17  }
0x279: {  	v32 =	vld.idx.msk [tilespmem:v32+s17+$0x0], $0xffff  }
0x27a: {  	v57 =	vadd.s32 $0x420, v17;
	v35 =	vld.idx.msk [tilespmem:v19+s17+$0x0], $0xffff  }
0x27b: {  	v29 =	vld.idx.msk [tilespmem:v62+s17+$0x0], $0xffff  }
0x27c: {  	v15 =	vadd.s32 $0x2, v16;
	vm9 =	vlt.f32 v26, v9;
	v27 =	vld.idx.msk [tilespmem:v27+s17+$0x0], $0xffff  }
0x27d: {  	v26 =	vsel vm9, v15, v16;
	v30 =	vld.idx.msk [tilespmem:v58+s17+$0x0], $0xffff  }
0x27e: {  	v34 =	vadd.s32 $0x210, v26;
	v37 =	vadd.s32 $0x10, v2;
	vm10 =	vlt.f32 v25, v23  }
0x27f: {  	v44 =	vadd.s32 $0x210, v11;
	v42 =	vadd.s32 $0x4, v21;
	v25 =	vsel vm10, v37, v2;
	v28 =	vld.idx.msk [tilespmem:v57+s17+$0x0], $0xffff  }
0x280: {  	[tilespmem:$0x1FE00] =	vst v40;
	v15 =	vld [tilespmem:s16+$0x20];
	v36 =	vpop (erf);
	vm14 =	vlt.f32 v32, v22;
	v41 =	vor.u32 $0x40, v1;
	v40 =	vadd.s32 $0x217, v25  }
0x281: {  	vm13 =	vlt.f32 v35, v18;
	vm12 =	vlt.f32 v29, v7;
	v38 =	vpop (erf);
	vm11 =	vlt.f32 v27, v24  }
0x282: {  	[tilespmem:$0x1FDF0] =	vst v43;
	v29 =	vsel vm13, v42, v21;
	v2 =	vmul.f32 v30, v38;
	v27 =	vsel vm11, v41, v1  }
0x283: {  	[tilespmem:$0x1FE20] =	vst v36;
	v36 =	vsel vm12, $0x1, v47;
	v45 =	vadd.s32 $0x211, v29;
	v1 =	vld.idx.msk [tilespmem:v34+s17+$0x0], $0xffff;
	v43 =	vor.u32 $0x22F, v27  }
0x284: {  	v28 =	vadd.f32 v2, v28;
	v2 =	vadd.s32 v36, v0;
	v0 =	vor.u32 $0x80, v63  }
0x285: {  	vm15 =	vlt.f32 v6, v15;
	v30 =	vld.idx.msk [tilespmem:v40+s17+$0x0], $0xffff;
	v31 =	vsel vm14, v0, v63  }
0x286: {  	v46 =	vadd.f32 v7, v7;
	[tilespmem:$0x1FE10] =	vst v38;
	v38 =	vsel vm15, $0x100, v47;
	v37 =	vor.u32 $0x24F, v31  }
0x287: {  	v12 =	vld.idx.msk [tilespmem:v44+s17+$0x0], $0xffff;
	v40 =	vor.u32 $0x28F, v38  }
0x288: {  	v10 =	vimm.s32 $0x0;
	v32 =	vmul.f32 $1.442695020e+00, v46;
	vm4 =	vlt.f32 v1, v9;
	v34 =	vld.idx.msk [tilespmem:v43+s17+$0x0], $0xffff  }
0x289: {  	v51 =	vadd.s32 $0x8, v25;
	(erf) = vrcp.f32 v28;
	v1 =	vsel vm4, $0x1, v47;
	v47 =	vld.idx.msk [tilespmem:v45+s17+$0x0], $0xffff  }
0x28a: {  	v14 =	vld.idx.msk [tilespmem:v11+s17+$0x0], $0xffff;
	v36 =	vadd.s32 $0x840, v2;
	vm5 =	vlt.f32 v30, v23;
	(erf) = vpow2.f32 v32  }
0x28b: {  	v50 =	vadd.s32 $0x210, v17;
	v59 =	vadd.s32 $0x420, v2;
	v28 =	vsel vm5, v51, v25;
	v54 =	vld.idx.msk [tilespmem:v37+s17+$0x0], $0xffff  }
0x28c: {  	v42 =	vsub.f32 v12, v4;
	v55 =	vld.idx.msk [tilespmem:v40+s17+$0x0], $0xffff;
	v25 =	vadd.s32 $0x213, v28;
	v41 =	vadd.s32 v1, v26  }
0x28d: {  	v53 =	vor.u32 $0x20, v27;
	v52 =	vadd.s32 $0x210, v41;
	vm6 =	vlt.f32 v34, v24  }
0x28e: {  	v21 =	vld [tilespmem:s16+$0x30];
	v57 =	vadd.s32 $0x2, v29;
	vm7 =	vlt.f32 v47, v18;
	v32 =	vsel vm6, v53, v27  }
0x28f: {  	v60 =	vor.u32 $0x40, v31;
	v56 =	vld.idx.msk [tilespmem:v36+s17+$0x0], $0xffff;
	v29 =	vsel vm7, v57, v29;
	v58 =	vadd.s32 $0x21F, v32  }
0x290: {  	v37 =	vsub.f32 v4, v14;
	v4 =	vld.idx.msk [tilespmem:v59+s17+$0x0], $0xffff;
	vm8 =	vlt.f32 v54, v22;
	v44 =	vadd.s32 $0x210, v29  }
0x291: {  	v61 =	vor.u32 $0x80, v38;
	vm9 =	vlt.f32 v55, v15;
	v45 =	vld.idx.msk [tilespmem:v25+s17+$0x0], $0xffff;
	v34 =	vsel vm8, v60, v31  }
0x292: {  	v59 =	vadd.f32 v9, v9;
	v49 =	vsel vm9, v61, v38;
	v0 =	vpop (erf);
	v30 =	vld.idx.msk [tilespmem:v52+s17+$0x0], $0xffff;
	v63 =	vor.u32 $0x22F, v34  }
0x293: {  	v19 =	vld.idx.msk [tilespmem:v39+s17+$0x0], $0xffff;
	v62 =	vadd.s32 $0x210, v20;
	vm12 =	vlt.f32 v6, v21;
	v13 =	vor.u32 $0x24F, v49;
	v25 =	vpop (erf)  }
0x294: {  	v43 =	vadd.s32 $0x210, v39;
	v61 =	vmul.f32 $1.442695020e+00, v59;
	v8 =	vmul.f32 v56, v25;
	v36 =	vld.idx.msk [tilespmem:v58+s17+$0x0], $0xffff  }
0x295: {  	v57 =	vadd.s32 $0x4, v28;
	v52 =	vsel vm12, $0x100, v10;
	v60 =	vadd.s32 $0x10, v32;
	v16 =	vld.idx.msk [tilespmem:v44+s17+$0x0], $0xffff  }
0x296: {  	v35 =	vld.idx.msk [tilespmem:v20+s17+$0x0], $0xffff;
	v56 =	vor.u32 $0x40, v49;
	vm11 =	vlt.f32 v45, v23;
	v54 =	vadd.f32 v8, v4  }
0x297: {  	v53 =	vor.u32 $0x28F, v52;
	v28 =	vsel vm11, v57, v28;
	vm10 =	vlt.f32 v30, v9;
	v47 =	vld.idx.msk [tilespmem:v63+s17+$0x0], $0xffff  }
0x298: {  	v40 =	vld.idx.msk [tilespmem:v13+s17+$0x0], $0xffff;
	v51 =	vadd.s32 $0x211, v28;
	(erf) = vrcp.f32 v54;
	v58 =	vsel vm10, $0x1, v10  }
0x299: {  	v38 =	vld.idx.msk [tilespmem:v62+s17+$0x0], $0xffff;
	v26 =	vor.u32 $0x20, v34;
	(erf) = vpow2.f32 v61;
	v27 =	vadd.s32 v58, v41  }
0x29a: {  	v45 =	vld.idx.msk [tilespmem:v43+s17+$0x0], $0xffff;
	v4 =	vadd.s32 $0x840, v27;
	vm13 =	vlt.f32 v36, v24;
	vm14 =	vlt.f32 v16, v18  }
0x29b: {  	v8 =	vld [tilespmem:s16+$0x40];
	v41 =	vadd.s32 $0x420, v27;
	v36 =	vsel vm13, v60, v32;
	v63 =	vsel vm14, $0x1, v10  }
0x29c: {  	v53 =	vld.idx.msk [tilespmem:v53+s17+$0x0], $0xffff;
	vm15 =	vlt.f32 v47, v22;
	v62 =	vadd.s32 $0x217, v36;
	v43 =	vadd.s32 v63, v29  }
0x29d: {  	vm4 =	vlt.f32 v40, v15;
	v13 =	vld.idx.msk [tilespmem:v51+s17+$0x0], $0xffff;
	v34 =	vsel vm15, v26, v34;
	v16 =	vadd.s32 $0x210, v43  }
0x29e: {  	v40 =	vsel vm4, v56, v49;
	v32 =	vld.idx.msk [tilespmem:v50+s17+$0x0], $0xffff;
	v58 =	vadd.s32 $0x21F, v34  }
0x29f: {  	v46 =	vsub.f32 v3, v19;
	v59 =	vor.u32 $0x22F, v40;
	v60 =	vld.idx.msk [tilespmem:v4+s17+$0x0], $0xffff  }
0x2a0: {  	vm9 =	veq.f32 v37, v42;
	v57 =	vsub.f32 v45, v3;
	vm11 =	vlt.f32 v6, v8;
	v41 =	vld.idx.msk [tilespmem:v41+s17+$0x0], $0xffff  }
0x2a1: {  	v55 =	vsub.f32 v38, v5;
	v61 =	vadd.s32 $0x2, v28;
	v54 =	vsel vm11, $0x100, v10;
	v30 =	vld.idx.msk [tilespmem:v62+s17+$0x0], $0xffff  }
0x2a2: {  	vm6 =	vlt.f32 v46, v57;
	vm7 =	veq.f32 v46, v57;
	vm5 =	vlt.f32 v13, v23;
	v63 =	vld.idx.msk [tilespmem:v16+s17+$0x0], $0xffff  }
0x2a3: {  	[tilespmem:$0x1FE30] =	vst v0;
	vm8 =	vlt.f32 v53, v21;
	v0 =	vpop (erf);
	v49 =	vsel vm5, v61, v28;
	v62 =	vor.u32 $0x80, v52;
	v50 =	vld.idx.msk [tilespmem:v58+s17+$0x0], $0xffff  }
0x2a4: {  	v46 =	vsub.f32 v5, v35;
	v29 =	vpop (erf);
	v13 =	vadd.s32 $0x210, v49;
	v44 =	vsel vm8, v62, v52;
	v16 =	vld.idx.msk [tilespmem:v59+s17+$0x0], $0xffff  }
0x2a5: {  	vm14 =	vlt.f32 v37, v42;
	v60 =	vmul.f32 v60, v29;
	v51 =	vor.u32 $0x24F, v44  }
0x2a6: {  	v31 =	vld.idx.msk [tilespmem:v17+s17+$0x0], $0xffff;
	v4 =	vadd.s32 $0x8, v36;
	v62 =	vor.u32 $0x28F, v54;
	vm10 =	vlt.f32 v30, v24  }
0x2a7: {  	v5 =	vld [tilespmem:s16+$0x50];
	v37 =	vadd.f32 v60, v41;
	v53 =	vsel vm10, v4, v36;
	vm12 =	vlt.f32 v63, v18  }
0x2a8: {  	vm13 =	vlt.f32 v50, v22;
	v63 =	vadd.s32 $0x10, v34;
	v61 =	vadd.s32 $0x213, v53  }
0x2a9: {  	v50 =	vld.idx.msk [tilespmem:v13+s17+$0x0], $0xffff;
	vm15 =	vlt.f32 v16, v15;
	v13 =	vor.u32 $0x20, v40;
	v41 =	vsel vm13, v63, v34  }
0x2aa: {  	v4 =	vld.idx.msk [tilespmem:v51+s17+$0x0], $0xffff;
	v40 =	vsel vm15, v13, v40;
	v28 =	vadd.s32 $0x217, v41  }
0x2ab: {  	v56 =	vsub.f32 v33, v31;
	v16 =	vadd.f32 v18, v18;
	v60 =	vld.idx.msk [tilespmem:v62+s17+$0x0], $0xffff;
	v59 =	vadd.s32 $0x21F, v40  }
0x2ac: {  	v57 =	vadd.s32 $0x210, v2;
	vm11 =	vlt.f32 v6, v5;
	v33 =	vsub.f32 v32, v33  }
0x2ad: {  	(erf) = vrcp.f32 v37;
	v36 =	vsel vm12, $0x1, v10;
	v62 =	vmul.f32 $1.442695020e+00, v16;
	v42 =	vld.idx.msk [tilespmem:v61+s17+$0x0], $0xffff  }
0x2ae: {  	v63 =	vor.u32 $0x40, v44;
	v13 =	vadd.s32 $0x4, v53;
	v36 =	vadd.s32 v36, v43  }
0x2af: {  	v37 =	vadd.s32 $0x840, v36;
	(erf) = vpow2.f32 v62;
	vm4 =	vlt.f32 v4, v21;
	v16 =	vld.idx.msk [tilespmem:v28+s17+$0x0], $0xffff  }
0x2b0: {  	vm10 =	vlt.f32 v60, v8;
	v4 =	vor.u32 $0x80, v54;
	v43 =	vsel vm4, v63, v44;
	v34 =	vld.idx.msk [tilespmem:v59+s17+$0x0], $0xffff  }
0x2b1: {  	vm5 =	vlt.f32 v50, v23;
	v51 =	vsel vm10, v4, v54;
	v44 =	vor.u32 $0x22F, v43  }
0x2b2: {  	v30 =	vld.idx.msk [tilespmem:v2+s17+$0x0], $0xffff;
	v59 =	vsel vm11, $0x100, v10;
	v52 =	vor.u32 $0x24F, v51;
	vm8 =	vlt.f32 v42, v24  }
0x2b3: {  	v28 =	vld.idx.msk [tilespmem:v57+s17+$0x0], $0xffff;
	v54 =	vadd.s32 $0x420, v36;
	v60 =	vor.u32 $0x28F, v59;
	v47 =	vsel vm8, v13, v53  }
0x2b4: {  	v13 =	vsel vm5, $0x1, v10;
	vm12 =	vlt.f32 v16, v22;
	v16 =	vadd.s32 $0x8, v41  }
0x2b5: {  	v61 =	vld.idx.msk [tilespmem:v37+s17+$0x0], $0xffff;
	vm13 =	vlt.f32 v34, v15;
	v53 =	vadd.s32 $0x211, v47;
	v49 =	vadd.s32 v13, v49  }
0x2b6: {  	v34 =	vadd.s32 $0x10, v40;
	v44 =	vld.idx.msk [tilespmem:v44+s17+$0x0], $0xffff;
	v42 =	vsel vm12, v16, v41;
	v57 =	vadd.s32 $0x210, v49  }
0x2b7: {  	vm2 =	vlt.f32 v56, v33;
	v40 =	vsel vm13, v34, v40;
	v52 =	vld.idx.msk [tilespmem:v52+s17+$0x0], $0xffff;
	v63 =	vadd.s32 $0x213, v42  }
0x2b8: {  	v58 =	vsub.f32 v7, v30;
	v7 =	vsub.f32 v28, v7;
	v34 =	vld.idx.msk [tilespmem:v60+s17+$0x0], $0xffff;
	v13 =	vadd.s32 $0x217, v40  }
0x2b9: {  	[tilespmem:$0x1FE40] =	vst v0;
	vm3 =	veq.f32 v56, v33;
	v0 =	vpop (erf);
	v33 =	vor.u32 $0x20, v43;
	vm8 =	vlt.f32 v46, v55;
	v54 =	vld.idx.msk [tilespmem:v54+s17+$0x0], $0xffff  }
0x2ba: {  	[tilespmem:$0x1FE60] =	vst v0;
	vm13 =	veq.f32 v46, v55;
	v0 =	vpop (erf);
	v55 =	vadd.s32 $0x210, v27;
	vm0 =	vlt.f32 v58, v7;
	v62 =	vld.idx.msk [tilespmem:v53+s17+$0x0], $0xffff  }
0x2bb: {  	vm1 =	veq.f32 v58, v7;
	v37 =	vmul.f32 v61, v0;
	vm4 =	vlt.f32 v44, v21;
	v16 =	vld.idx.msk [tilespmem:v57+s17+$0x0], $0xffff  }
0x2bc: {  	v58 =	vadd.s32 $0x2, v47;
	v61 =	vor.u32 $0x40, v51;
	v57 =	vsel vm4, v33, v43;
	v60 =	vld.idx.msk [tilespmem:v63+s17+$0x0], $0xffff  }
0x2bd: {  	vm10 =	vlt.f32 v52, v8;
	vm11 =	vlt.f32 v34, v5;
	v46 =	vld.idx.msk [tilespmem:v13+s17+$0x0], $0xffff;
	v43 =	vadd.s32 $0x21F, v57  }
0x2be: {  	v51 =	vsel vm10, v61, v51;
	v63 =	vor.u32 $0x80, v59;
	v13 =	vadd.f32 v37, v54  }
0x2bf: {  	v7 =	vld [tilespmem:s16+$0x60];
	v52 =	vor.u32 $0x22F, v51;
	v54 =	vsel vm11, v63, v59;
	vm15 =	vlt.f32 v62, v24  }
0x2c0: {  	v34 =	vadd.s32 $0x8, v40;
	v59 =	vor.u32 $0x24F, v54;
	v47 =	vsel vm15, v58, v47  }
0x2c1: {  	v41 =	vld.idx.msk [tilespmem:v27+s17+$0x0], $0xffff;
	vm5 =	vlt.f32 v16, v23;
	vm12 =	vlt.f32 v60, v22;
	v16 =	vadd.s32 $0x4, v42  }
0x2c2: {  	vm15 =	vlt.f32 v46, v15;
	v62 =	vadd.s32 $0x210, v47;
	v33 =	vld.idx.msk [tilespmem:v43+s17+$0x0], $0xffff;
	v42 =	vsel vm12, v16, v42  }
0x2c3: {  	v44 =	vld.idx.msk [tilespmem:v55+s17+$0x0], $0xffff;
	v37 =	vadd.f32 v23, v23;
	v60 =	vsel vm15, v34, v40;
	v56 =	vadd.s32 $0x211, v42  }
0x2c4: {  	vm10 =	vlt.f32 v6, v7;
	v53 =	vsel vm5, $0x1, v10;
	v63 =	vld.idx.msk [tilespmem:v52+s17+$0x0], $0xffff;
	v40 =	vadd.s32 $0x213, v60  }
0x2c5: {  	(erf) = vrcp.f32 v13;
	v46 =	vmul.f32 $1.442695020e+00, v37;
	v43 =	vadd.s32 v53, v49;
	v13 =	vld.idx.msk [tilespmem:v59+s17+$0x0], $0xffff  }
0x2c6: {  	v4 =	vadd.s32 $0x10, v57;
	v59 =	vsel vm10, $0x100, v10;
	v52 =	vadd.s32 $0x840, v43  }
0x2c7: {  	(erf) = vpow2.f32 v46;
	v53 =	vor.u32 $0x28F, v59;
	v50 =	vld.idx.msk [tilespmem:v62+s17+$0x0], $0xffff;
	vm11 =	vlt.f32 v33, v21  }
0x2c8: {  	v61 =	vadd.s32 $0x420, v43;
	v46 =	vsel vm11, v4, v57;
	v16 =	vld.idx.msk [tilespmem:v56+s17+$0x0], $0xffff  }
0x2c9: {  	v55 =	vsub.f32 v9, v41;
	v37 =	vor.u32 $0x20, v51;
	v40 =	vld.idx.msk [tilespmem:v40+s17+$0x0], $0xffff;
	v33 =	vadd.s32 $0x217, v46  }
0x2ca: {  	vm15 =	vlt.f32 v63, v8;
	vm10 =	vlt.f32 v13, v5;
	v13 =	vsub.f32 v44, v9;
	v9 =	vld [tilespmem:s16+$0x70]  }
0x2cb: {  	v48 =	vadd.s32 $0xC60, v11;
	v63 =	vadd.s32 $0xE70, v11;
	v49 =	vsel vm15, v37, v51;
	v51 =	vld.idx.msk [tilespmem:v52+s17+$0x0], $0xffff  }
0x2cc: {  	v4 =	vor.u32 $0x40, v54;
	v52 =	vadd.s32 $0x21F, v49;
	v53 =	vld.idx.msk [tilespmem:v53+s17+$0x0], $0xffff;
	vm12 =	vlt.f32 v50, v24  }
0x2cd: {  	v37 =	vadd.s32 $0x4, v60;
	v54 =	vsel vm10, v4, v54;
	v61 =	vld.idx.msk [tilespmem:v61+s17+$0x0], $0xffff;
	v34 =	vsel vm12, $0x1, v10  }
0x2ce: {  	v4 =	vadd.s32 $0x8, v46;
	v47 =	vadd.s32 v34, v47;
	v33 =	vld.idx.msk [tilespmem:v33+s17+$0x0], $0xffff;
	v34 =	vor.u32 $0x22F, v54  }
0x2cf: {  	[tilespmem:$0x1FE50] =	vst v0;
	v0 =	vpop (erf);
	vm11 =	vlt.f32 v16, v22;
	v16 =	vadd.s32 $0x2, v42;
	v62 =	vadd.s32 $0x210, v47  }
0x2d0: {  	vm4 =	vlt.f32 v55, v13;
	v1 =	vpop (erf);
	vm12 =	vlt.f32 v40, v15;
	v57 =	vsel vm11, v16, v42  }
0x2d1: {  	[tilespmem:$0x1FE80] =	vst v0;
	v60 =	vsel vm12, v37, v60;
	v52 =	vld.idx.msk [tilespmem:v52+s17+$0x0], $0xffff;
	v51 =	vmul.f32 v51, v1;
	v0 =	vadd.s32 $0x210, v57  }
0x2d2: {  	vm15 =	vlt.f32 v6, v9;
	vm10 =	vlt.f32 v53, v7;
	v40 =	vadd.s32 $0x211, v60  }
0x2d3: {  	v16 =	vadd.f32 v51, v61;
	v61 =	vsel vm15, $0x100, v10;
	vm11 =	vlt.f32 v33, v21;
	v56 =	vld.idx.msk [tilespmem:v34+s17+$0x0], $0xffff  }
0x2d4: {  	v37 =	vor.u32 $0x28F, v61;
	v42 =	vld.idx.msk [tilespmem:v62+s17+$0x0], $0xffff;
	v62 =	vor.u32 $0x80, v59;
	v46 =	vsel vm11, v4, v46  }
0x2d5: {  	vm5 =	veq.f32 v55, v13;
	v63 =	vld.idx.msk [tilespmem:v63+s17+$0x0], $0xffff;
	v53 =	vsel vm10, v62, v59;
	v33 =	vadd.s32 $0x213, v46  }
0x2d6: {  	vm12 =	vlt.f32 v52, v8;
	v34 =	vadd.s32 $0x10, v49;
	v0 =	vld.idx.msk [tilespmem:v0+s17+$0x0], $0xffff;
	v13 =	vor.u32 $0x24F, v53  }
0x2d7: {  	v55 =	vld.idx.msk [tilespmem:v40+s17+$0x0], $0xffff;
	v58 =	vsel vm12, v34, v49  }
0x2d8: {  	(erf) = vrcp.f32 v16;
	v40 =	vor.u32 $0x20, v54;
	v62 =	vld.idx.msk [tilespmem:v48+s17+$0x0], $0xffff;
	v49 =	vadd.s32 $0x217, v58  }
0x2d9: {  	[tilespmem:$0x1FE70] =	vst v1;
	v34 =	vadd.s32 $0x210, v43;
	v1 =	vld.idx.msk [tilespmem:v37+s17+$0x0], $0xffff;
	vm12 =	vlt.f32 v56, v5;
	vm15 =	vlt.f32 v42, v24  }
0x2da: {  	v48 =	vadd.s32 $0x210, v36;
	v54 =	vsel vm12, v40, v54;
	v42 =	vsel vm15, $0x1, v10;
	v16 =	vld.idx.msk [tilespmem:v33+s17+$0x0], $0xffff  }
0x2db: {  	v33 =	vadd.s32 $0x21F, v54;
	vm15 =	vlt.f32 v0, v22;
	v4 =	vld.idx.msk [tilespmem:v13+s17+$0x0], $0xffff;
	v13 =	vadd.f32 v24, v24  }
0x2dc: {  	vm12 =	vlt.f32 v55, v15;
	v40 =	vld.idx.msk [tilespmem:v36+s17+$0x0], $0xffff;
	v0 =	vadd.s32 $0x2, v60;
	v37 =	vsel vm15, $0x1, v10  }
0x2dd: {  	v55 =	vadd.s32 v37, v57;
	v57 =	vsel vm12, v0, v60;
	v0 =	vld.idx.msk [tilespmem:v49+s17+$0x0], $0xffff;
	v50 =	vmul.f32 $1.442695020e+00, v13  }
0x2de: {  	v51 =	vadd.s32 v42, v47;
	v49 =	vld.idx.msk [tilespmem:v34+s17+$0x0], $0xffff  }
0x2df: {  	v42 =	vor.u32 $0x40, v53;
	v60 =	vadd.s32 $0xA50, v11;
	(erf) = vpow2.f32 v50;
	v50 =	vld.idx.msk [tilespmem:v48+s17+$0x0], $0xffff  }
0x2e0: {  	v26 =	vmovc v2;
	v34 =	vadd.s32 $0x840, v51;
	v37 =	vadd.s32 $0x8, v58;
	v6 =	vld.idx.msk [tilespmem:v33+s17+$0x0], $0xffff;
	vm15 =	vlt.f32 v4, v7  }
0x2e1: {  	v2 =	vsub.f32 v18, v40;
	vm12 =	vlt.f32 v16, v21;
	v48 =	vld.idx.msk [tilespmem:v43+s17+$0x0], $0xffff;
	v53 =	vsel vm15, v42, v53  }
0x2e2: {  	v4 =	vadd.s32 $0x4, v46;
	vm15 =	vlt.f32 v1, v9;
	v1 =	vor.u32 $0x22F, v53  }
0x2e3: {  	v16 =	vor.u32 $0x80, v61;
	v46 =	vsel vm12, v4, v46;
	vm12 =	vlt.f32 v0, v8  }
0x2e4: {  	v47 =	vsel vm15, v16, v61;
	v13 =	vsel vm12, v37, v58;
	vm15 =	vlt.s32 v62, v63  }
0x2e5: {  	v59 =	vor.u32 $0x24F, v47;
	vm15 =	vmand vm9, vm15;
	v18 =	vsub.f32 v50, v18  }
0x2e6: {  	v42 =	vld.idx.msk [tilespmem:v60+s17+$0x0], $0xffff;
	vm11 =	vlt.f32 v6, v5;
	v0 =	vsub.f32 v23, v48;
	v23 =	vsub.f32 v49, v23  }
0x2e7: {  	vm10 =	vlt.f32 v2, v18;
	vm12 =	veq.f32 v2, v18;
	v3 =	vld.idx.msk [tilespmem:v1+s17+$0x0], $0xffff;
	v1 =	vadd.s32 $0x10, v54  }
0x2e8: {  	vm9 =	vlt.f32 v0, v23;
	v2 =	vsel vm11, v1, v54;
	vm11 =	veq.f32 v0, v23;
	v0 =	vld [tilespmem:$0x1FDC0]  }
0x2e9: {  	v33 =	vadd.s32 $0x420, v51  }
0x2ea: {  	v6 =	vadd.s32 $0x210, v55  }
0x2eb: {  	v16 =	vadd.s32 $0x210, v57;
	v1 =	vld.idx.msk [tilespmem:v59+s17+$0x0], $0xffff  }
0x2ec: {  	vm14 =	vmor vm14, vm15  }
0x2ed: {  	v34 =	vld.idx.msk [tilespmem:v34+s17+$0x0], $0xffff;
	v56 =	vmul.f32 v42, v0;
	v0 =	vsel vm14, v14, v12  }
0x2ee: {  	v37 =	vadd.s32 $0xC60, v39;
	v4 =	vor.u32 $0x20, v53;
	v52 =	vld.idx.msk [tilespmem:v33+s17+$0x0], $0xffff  }
0x2ef: {  	v33 =	vadd.s32 $0x211, v46;
	v58 =	vld.idx.msk [tilespmem:v6+s17+$0x0], $0xffff;
	vm15 =	vlt.f32 v3, v7;
	v42 =	vadd.s32 $0x213, v13  }
0x2f0: {  	v3 =	vld.idx.msk [tilespmem:v16+s17+$0x0], $0xffff;
	v12 =	vsel vm15, v4, v53;
	vm15 =	vlt.f32 v1, v9;
	v1 =	vor.u32 $0x40, v47;
	[tilespmem:$0x1FE90] =	vst v0;
	v0 =	vpop (erf)  }
0x2f1: {  	v6 =	vadd.s32 $0x217, v2;
	v47 =	vsel vm15, v1, v47;
	v23 =	vpop (erf)  }
0x2f2: {  	v18 =	vor.u32 $0x22F, v47;
	v34 =	vmul.f32 v34, v23  }
0x2f3: {  	v59 =	vld.idx.msk [tilespmem:v37+s17+$0x0], $0xffff;
	v16 =	vadd.f32 v22, v22;
	v37 =	vadd.s32 $0x21F, v12;
	[tilespmem:$0x1FEB0] =	vst v0;
	v0 =	vadd.s32 $0xE70, v39  }
0x2f4: {  	v61 =	vld.idx.msk [tilespmem:v33+s17+$0x0], $0xffff;
	v1 =	vsel vm14, v62, v63;
	vm14 =	vlt.f32 v58, v22;
	v52 =	vadd.f32 v34, v52  }
0x2f5: {  	v33 =	vmul.f32 $1.442695020e+00, v16;
	vm15 =	vlt.f32 v3, v15;
	v3 =	vld.idx.msk [tilespmem:v42+s17+$0x0], $0xffff;
	v42 =	vsel vm14, $0x1, v10  }
0x2f6: {  	v14 =	vld.idx.msk [tilespmem:v6+s17+$0x0], $0xffff;
	v53 =	vadd.s32 v42, v55;
	v34 =	vadd.s32 $0x210, v51;
	(erf) = vrcp.f32 v52  }
0x2f7: {  	v6 =	vadd.s32 $0x840, v53;
	v58 =	vld.idx.msk [tilespmem:v18+s17+$0x0], $0xffff;
	(erf) = vpow2.f32 v33  }
0x2f8: {  	v16 =	vadd.s32 $0x2, v46;
	v4 =	vld.idx.msk [tilespmem:v0+s17+$0x0], $0xffff  }
0x2f9: {  	[tilespmem:$0x1FEA0] =	vst v1;
	v1 =	vadd.s32 $0xC60, v20;
	v62 =	vsel vm15, $0x1, v10;
	v18 =	vadd.s32 $0x420, v53;
	v52 =	vld.idx.msk [tilespmem:v37+s17+$0x0], $0xffff  }
0x2fa: {  	vm14 =	vlt.f32 v61, v21;
	v57 =	vadd.s32 v62, v57;
	v55 =	vadd.s32 $0x630, v11;
	v37 =	vld.idx.msk [tilespmem:v51+s17+$0x0], $0xffff  }
0x2fb: {  	v46 =	vsel vm14, v16, v46;
	vm15 =	vlt.f32 v14, v5;
	v42 =	vadd.s32 $0x8, v2;
	v34 =	vld.idx.msk [tilespmem:v34+s17+$0x0], $0xffff  }
0x2fc: {  	v11 =	vadd.s32 $0xA50, v39;
	v2 =	vsel vm15, v42, v2;
	v14 =	vadd.s32 $0x210, v57;
	v54 =	vld.idx.msk [tilespmem:v6+s17+$0x0], $0xffff  }
0x2fd: {  	v60 =	vadd.s32 $0x210, v46;
	vm14 =	vlt.f32 v3, v8;
	v33 =	vadd.s32 $0x4, v13  }
0x2fe: {  	v13 =	vsel vm14, v33, v13;
	v6 =	vadd.s32 $0x10, v12;
	v61 =	vld.idx.msk [tilespmem:v18+s17+$0x0], $0xffff;
	vm14 =	vlt.f32 v52, v7  }
0x2ff: {  	v12 =	vsel vm14, v6, v12;
	vm14 =	vlt.f32 v58, v9;
	v6 =	vor.u32 $0x20, v47;
	v0 =	vpop (erf)  }
0x300: {  	v33 =	vsub.f32 v24, v37;
	v16 =	vsel vm14, v6, v47;
	v24 =	vsub.f32 v34, v24;
	v47 =	vpop (erf)  }
0x301: {  	v1 =	vld.idx.msk [tilespmem:v1+s17+$0x0], $0xffff;
	v3 =	vadd.s32 $0x213, v2;
	vm15 =	vlt.s32 v59, v4;
	v54 =	vmul.f32 v54, v47  }
0x302: {  	v55 =	vld.idx.msk [tilespmem:v55+s17+$0x0], $0xffff;
	v42 =	vadd.s32 $0x211, v13;
	vm15 =	vmand vm7, vm15;
	vm7 =	vlt.f32 v33, v24  }
0x303: {  	v14 =	vld.idx.msk [tilespmem:v14+s17+$0x0], $0xffff;
	[tilespmem:$0x1FED0] =	vst v0;
	v0 =	vadd.s32 $0x210, v53;
	vm14 =	veq.f32 v33, v24;
	v33 =	vadd.f32 v54, v61  }
0x304: {  	v60 =	vld.idx.msk [tilespmem:v60+s17+$0x0], $0xffff  }
0x305: {  	v52 =	vadd.s32 $0xE70, v20;
	v58 =	vld.idx.msk [tilespmem:v11+s17+$0x0], $0xffff;
	(erf) = vrcp.f32 v33  }
0x306: {  	v3 =	vld.idx.msk [tilespmem:v3+s17+$0x0], $0xffff;
	v11 =	vadd.s32 $0x217, v12;
	vm6 =	vmor vm6, vm15  }
0x307: {  	v4 =	vsel vm6, v59, v4;
	v24 =	vadd.f32 v56, v55;
	v61 =	vld.idx.msk [tilespmem:v42+s17+$0x0], $0xffff  }
0x308: {  	v55 =	vsel vm6, v19, v45;
	vm6 =	vlt.f32 v14, v15;
	v19 =	vadd.s32 $0x630, v39;
	v33 =	vld.idx.msk [tilespmem:v0+s17+$0x0], $0xffff  }
0x309: {  	vm15 =	vlt.f32 v60, v21;
	v60 =	vsel vm6, $0x1, v10;
	v42 =	vadd.s32 $0x21F, v16;
	v0 =	vld [tilespmem:$0x1FDD0]  }
0x30a: {  	v6 =	vsel vm15, $0x1, v10;
	v45 =	vadd.f32 v15, v15;
	v14 =	vld.idx.msk [tilespmem:v52+s17+$0x0], $0xffff;
	v56 =	vadd.s32 v60, v57  }
0x30b: {  	vm15 =	vlt.f32 v3, v5;
	v39 =	vld.idx.msk [tilespmem:v11+s17+$0x0], $0xffff;
	v3 =	vadd.s32 $0x840, v56;
	v54 =	vadd.s32 $0x4, v2  }
0x30c: {  	[tilespmem:$0x1FEC0] =	vst v4;
	v4 =	vmul.f32 $1.442695020e+00, v45;
	v45 =	vld.idx.msk [tilespmem:v53+s17+$0x0], $0xffff;
	v59 =	vsel vm15, v54, v2;
	v2 =	vadd.s32 $0x420, v56  }
0x30d: {  	v52 =	vadd.s32 $0x2, v13;
	v19 =	vld.idx.msk [tilespmem:v19+s17+$0x0], $0xffff  }
0x30e: {  	v54 =	vadd.s32 $0x10, v16;
	v11 =	vld.idx.msk [tilespmem:v42+s17+$0x0], $0xffff;
	v42 =	vadd.s32 $0xA50, v20;
	v58 =	vmul.f32 v58, v0;
	v0 =	vpop (erf)  }
0x30f: {  	(erf) = vpow2.f32 v4;
	v4 =	vadd.s32 v6, v46;
	v6 =	vadd.s32 $0x8, v12;
	[tilespmem:$0x1FEE0] =	vst v0;
	v0 =	vld [tilespmem:$0x1FDE0]  }
0x310: {  	vm15 =	vlt.f32 v39, v7;
	v39 =	vadd.s32 $0x210, v4;
	vm6 =	vlt.f32 v61, v8;
	v3 =	vld.idx.msk [tilespmem:v3+s17+$0x0], $0xffff  }
0x311: {  	v20 =	vadd.s32 $0x630, v20;
	v12 =	vsel vm15, v6, v12;
	v13 =	vsel vm6, v52, v13;
	v62 =	vld.idx.msk [tilespmem:v2+s17+$0x0], $0xffff  }
0x312: {  	v52 =	vsub.f32 v22, v45;
	v60 =	vadd.s32 $0x213, v12;
	v2 =	vld [tilespmem:$0x1FE20];
	v22 =	vsub.f32 v33, v22  }
0x313: {  	v19 =	vadd.f32 v58, v19;
	vm15 =	vlt.f32 v11, v9;
	v11 =	vld.idx.msk [tilespmem:v42+s17+$0x0], $0xffff;
	v42 =	vadd.s32 $0x210, v13  }
0x314: {  	v16 =	vsel vm15, v54, v16;
	vm15 =	vlt.s32 v1, v14;
	v58 =	vmul.f32 v0, v24;
	v0 =	vld [tilespmem:$0x1FDF0]  }
0x315: {  	v63 =	vadd.s32 $0x630, v17;
	vm6 =	vlt.f32 v52, v22;
	v39 =	vld.idx.msk [tilespmem:v39+s17+$0x0], $0xffff;
	vm15 =	vmand vm13, vm15  }
0x316: {  	v6 =	vld.idx.msk [tilespmem:v20+s17+$0x0], $0xffff;
	vm13 =	veq.f32 v52, v22;
	v22 =	vadd.s32 $0xA50, v26;
	vm8 =	vmor vm8, vm15  }
0x317: {  	v60 =	vld.idx.msk [tilespmem:v60+s17+$0x0], $0xffff;
	v20 =	vsel vm8, v1, v14;
	v14 =	vadd.s32 $0xE70, v17  }
0x318: {  	v54 =	vpop (erf);
	v24 =	vld.idx.msk [tilespmem:v42+s17+$0x0], $0xffff;
	v42 =	vadd.s32 $0xA50, v17  }
0x319: {  	v52 =	vadd.s32 $0x217, v16;
	v3 =	vmul.f32 v3, v54;
	v11 =	vmul.f32 v11, v0;
	v0 =	vld [tilespmem:$0x1FE00]  }
0x31a: {  	v38 =	vsel vm8, v35, v38;
	v35 =	vld.idx.msk [tilespmem:v63+s17+$0x0], $0xffff;
	vm8 =	vlt.f32 v39, v21  }
0x31b: {  	v3 =	vadd.f32 v3, v62;
	v62 =	vadd.s32 $0x211, v59;
	v46 =	vsel vm8, $0x1, v10;
	v22 =	vld.idx.msk [tilespmem:v22+s17+$0x0], $0xffff  }
0x31c: {  	v14 =	vld.idx.msk [tilespmem:v14+s17+$0x0], $0xffff;
	v61 =	vadd.f32 v11, v6;
	v6 =	vadd.s32 $0xC60, v17;
	v17 =	vadd.s32 v46, v4  }
0x31d: {  	(erf) = vrcp.f32 v3;
	v3 =	vld.idx.msk [tilespmem:v42+s17+$0x0], $0xffff;
	v11 =	vadd.f32 v21, v21;
	v46 =	vadd.s32 $0x840, v17  }
0x31e: {  	v18 =	vadd.s32 $0x4, v12;
	vm15 =	vlt.f32 v24, v8;
	v57 =	vmul.f32 v0, v19;
	v19 =	vld.idx.msk [tilespmem:v52+s17+$0x0], $0xffff  }
0x31f: {  	v42 =	vmul.f32 $1.442695020e+00, v11;
	v11 =	vsel vm15, $0x1, v10;
	v52 =	vadd.s32 $0x630, v26;
	v0 =	vld [tilespmem:$0x1FE10]  }
0x320: {  	vm15 =	vlt.f32 v60, v7;
	v60 =	vadd.s32 $0x420, v17;
	v24 =	vadd.s32 v11, v13;
	v13 =	vld.idx.msk [tilespmem:v62+s17+$0x0], $0xffff  }
0x321: {  	v62 =	vsel vm15, v18, v12;
	v12 =	vadd.s32 $0x630, v27;
	v4 =	vld.idx.msk [tilespmem:v6+s17+$0x0], $0xffff  }
0x322: {  	(erf) = vpow2.f32 v42;
	v42 =	vadd.s32 $0x210, v24;
	[tilespmem:s1+$0xFFFFFF90] =	vst v57;
	v46 =	vld.idx.msk [tilespmem:v46+s17+$0x0], $0xffff  }
0x323: {  	v6 =	vadd.s32 $0x8, v16;
	[tilespmem:s0+$0xFFFFFF90] =	vst v55;
	v55 =	vld [tilespmem:$0x1FEB0]  }
0x324: {  	v3 =	vmul.f32 v3, v0;
	vm15 =	vlt.f32 v19, v9;
	v19 =	vld.idx.msk [tilespmem:v52+s17+$0x0], $0xffff;
	v52 =	vadd.s32 $0xC60, v26  }
0x325: {  	v11 =	vadd.s32 $0xE70, v26;
	v60 =	vld.idx.msk [tilespmem:v60+s17+$0x0], $0xffff;
	v0 =	vadd.s32 $0x211, v62;
	v16 =	vsel vm15, v6, v16  }
0x326: {  	v12 =	vld.idx.msk [tilespmem:v12+s17+$0x0], $0xffff;
	vm15 =	vlt.f32 v13, v5;
	v3 =	vadd.f32 v3, v35;
	v35 =	vadd.s32 $0x2, v59  }
0x327: {  	v59 =	vsel vm15, v35, v59;
	v35 =	vmul.f32 v2, v61;
	v61 =	vld.idx.msk [tilespmem:v42+s17+$0x0], $0xffff  }
0x328: {  	v1 =	vadd.s32 $0x213, v16;
	vm15 =	vlt.s32 v4, v14;
	v2 =	vld [tilespmem:$0x1FE30]  }
0x329: {  	vm3 =	vmand vm3, vm15;
	v39 =	vld.idx.msk [tilespmem:v52+s17+$0x0], $0xffff  }
0x32a: {  	vm2 =	vmor vm2, vm3;
	v0 =	vld.idx.msk [tilespmem:v0+s17+$0x0], $0xffff  }
0x32b: {  	v42 =	vmul.f32 v22, v25;
	v13 =	vadd.s32 $0x210, v59;
	v52 =	vpop (erf);
	[tilespmem:s1+$0xFFFFFFA0] =	vst v35;
	v26 =	vsel vm2, v31, v32;
	v32 =	vld.idx.msk [tilespmem:v11+s17+$0x0], $0xffff  }
0x32c: {  	v63 =	vadd.s32 $0xA50, v27;
	v6 =	vadd.s32 $0x2, v62;
	v22 =	vpop (erf);
	v25 =	vsel vm2, v4, v14;
	[tilespmem:s0+$0xFFFFFFA0] =	vst v38;
	v38 =	vld.idx.msk [tilespmem:v17+s17+$0x0], $0xffff  }
0x32d: {  	v14 =	vadd.s32 $0xC60, v27;
	v31 =	vadd.f32 v42, v19;
	v46 =	vmul.f32 v46, v22;
	v1 =	vld.idx.msk [tilespmem:v1+s17+$0x0], $0xffff  }
0x32e: {  	v27 =	vadd.s32 $0xE70, v27;
	v11 =	vadd.f32 v8, v8;
	[tilespmem:s31+$0xFFFFFFA0] =	vst v20;
	v20 =	vld [tilespmem:$0x1FED0];
	v18 =	vmul.f32 v2, v3  }
0x32f: {  	vm8 =	vlt.f32 v61, v8;
	v61 =	vadd.s32 $0xA50, v36;
	v2 =	vld [tilespmem:$0x1FE40];
	v4 =	vadd.f32 v46, v60  }
0x330: {  	v42 =	vmovc v8;
	v46 =	vadd.s32 $0x630, v36;
	v60 =	vmul.f32 $1.442695020e+00, v11;
	v13 =	vld.idx.msk [tilespmem:v13+s17+$0x0], $0xffff;
	v8 =	vsel vm8, $0x1, v10  }
0x331: {  	v11 =	vadd.s32 $0xC60, v36;
	v19 =	vadd.s32 v8, v24;
	(erf) = vrcp.f32 v4;
	v4 =	vld.idx.msk [tilespmem:v63+s17+$0x0], $0xffff  }
0x332: {  	vm2 =	vlt.f32 v0, v7;
	v0 =	vld.idx.msk [tilespmem:v14+s17+$0x0], $0xffff;
	v14 =	vadd.s32 $0x840, v19;
	v63 =	vadd.s32 $0x4, v16  }
0x333: {  	(erf) = vpow2.f32 v60;
	vm15 =	vlt.f32 v1, v9;
	v1 =	vld.idx.msk [tilespmem:v27+s17+$0x0], $0xffff;
	v27 =	vadd.s32 $0xE70, v36  }
0x334: {  	v36 =	vsel vm15, v63, v16;
	v16 =	vadd.s32 $0x420, v19;
	v60 =	vld.idx.msk [tilespmem:v61+s17+$0x0], $0xffff;
	vm15 =	vlt.s32 v39, v32  }
0x335: {  	v46 =	vld.idx.msk [tilespmem:v46+s17+$0x0], $0xffff;
	vm8 =	vlt.f32 v13, v5;
	v13 =	vsel vm2, v6, v62;
	v61 =	vadd.s32 $0x211, v36  }
0x336: {  	v24 =	vld.idx.msk [tilespmem:v11+s17+$0x0], $0xffff;
	vm1 =	vmand vm1, vm15;
	v11 =	vadd.s32 $0x210, v13  }
0x337: {  	v31 =	vmul.f32 v2, v31;
	v8 =	vsel vm8, $0x1, v10;
	vm0 =	vmor vm0, vm1;
	v62 =	vld.idx.msk [tilespmem:v14+s17+$0x0], $0xffff  }
0x338: {  	v59 =	vadd.s32 v8, v59;
	v14 =	vadd.s32 $0x630, v43;
	v30 =	vsel vm0, v30, v28;
	v2 =	vld.idx.msk [tilespmem:v27+s17+$0x0], $0xffff  }
0x339: {  	v4 =	vmul.f32 v4, v29;
	v27 =	vadd.s32 $0x210, v59;
	vm8 =	vlt.s32 v0, v1;
	v16 =	vld.idx.msk [tilespmem:v16+s17+$0x0], $0xffff  }
0x33a: {  	v28 =	vadd.s32 $0xA50, v43;
	v29 =	vsel vm0, v39, v32;
	vm0 =	vmand vm5, vm8;
	v61 =	vld.idx.msk [tilespmem:v61+s17+$0x0], $0xffff  }
0x33b: {  	v32 =	vadd.s32 $0xC60, v43;
	vm0 =	vmor vm4, vm0;
	v39 =	vpop (erf);
	v63 =	vld.idx.msk [tilespmem:v11+s17+$0x0], $0xffff  }
0x33c: {  	v43 =	vadd.s32 $0xE70, v43;
	v8 =	vadd.s32 $0x2, v36;
	v6 =	vsel vm0, v0, v1;
	v0 =	vld [tilespmem:$0x1FE50];
	v11 =	vpop (erf)  }
0x33d: {  	v4 =	vadd.f32 v4, v12;
	v12 =	vadd.s32 $0x630, v51;
	v14 =	vld.idx.msk [tilespmem:v14+s17+$0x0], $0xffff;
	v62 =	vmul.f32 v62, v11  }
0x33e: {  	v41 =	vsel vm0, v41, v44;
	v1 =	vld.idx.msk [tilespmem:v27+s17+$0x0], $0xffff;
	v27 =	vadd.s32 $0xA50, v51;
	vm8 =	vlt.s32 v24, v2  }
0x33f: {  	v28 =	vld.idx.msk [tilespmem:v28+s17+$0x0], $0xffff;
	vm0 =	vmand vm12, vm8;
	v16 =	vadd.f32 v62, v16;
	vm15 =	vlt.f32 v61, v9  }
0x340: {  	v32 =	vld.idx.msk [tilespmem:v32+s17+$0x0], $0xffff;
	v61 =	vadd.s32 $0x630, v53;
	v62 =	vadd.s32 $0xA50, v53;
	vm0 =	vmor vm10, vm0  }
0x341: {  	v43 =	vld.idx.msk [tilespmem:v43+s17+$0x0], $0xffff;
	v44 =	vmul.f32 v60, v0;
	v60 =	vadd.s32 $0xC60, v51;
	v51 =	vadd.s32 $0xE70, v51  }
0x342: {  	v12 =	vld.idx.msk [tilespmem:v12+s17+$0x0], $0xffff;
	v36 =	vsel vm15, v8, v36;
	vm4 =	vlt.f32 v63, v7;
	v8 =	vadd.f32 v5, v5  }
0x343: {  	v40 =	vsel vm0, v40, v50;
	v50 =	vld [tilespmem:$0x1FE70];
	v0 =	vsel vm4, $0x1, v10;
	vm5 =	vlt.f32 v1, v5  }
0x344: {  	v3 =	vadd.s32 v0, v13;
	v13 =	vld.idx.msk [tilespmem:v27+s17+$0x0], $0xffff;
	v63 =	vmul.f32 $1.442695020e+00, v8;
	v8 =	vsel vm5, $0x1, v10  }
0x345: {  	(erf) = vrcp.f32 v16;
	v0 =	vadd.s32 $0xC60, v53;
	v27 =	vadd.s32 v8, v59;
	v59 =	vld.idx.msk [tilespmem:v61+s17+$0x0], $0xffff  }
0x346: {  	v53 =	vadd.s32 $0xE70, v53;
	(erf) = vpow2.f32 v63;
	v63 =	vld [tilespmem:$0x1FE60]  }
0x347: {  	v1 =	vadd.s32 $0x210, v3;
	v62 =	vld.idx.msk [tilespmem:v62+s17+$0x0], $0xffff  }
0x348: {  	vm10 =	vlt.s32 v32, v43;
	v16 =	vld.idx.msk [tilespmem:v51+s17+$0x0], $0xffff;
	v51 =	vadd.s32 $0x210, v36  }
0x349: {  	v2 =	vsel vm0, v24, v2;
	vm0 =	vmand vm11, vm10;
	v60 =	vld.idx.msk [tilespmem:v60+s17+$0x0], $0xffff;
	v24 =	vmul.f32 v28, v50  }
0x34a: {  	v44 =	vadd.f32 v44, v46;
	vm0 =	vmor vm9, vm0;
	v46 =	vld.idx.msk [tilespmem:v0+s17+$0x0], $0xffff  }
0x34b: {  	v0 =	vadd.s32 $0x420, v27;
	v14 =	vadd.f32 v24, v14;
	v24 =	vsel vm0, v48, v49;
	v48 =	vld.idx.msk [tilespmem:v53+s17+$0x0], $0xffff  }
0x34c: {  	v1 =	vld.idx.msk [tilespmem:v1+s17+$0x0], $0xffff  }
0x34d: {  	v53 =	vadd.s32 $0xC60, v56;
	v28 =	vld.idx.msk [tilespmem:v51+s17+$0x0], $0xffff  }
0x34e: {  	v61 =	vadd.s32 $0x840, v27;
	v51 =	vld [tilespmem:$0x1FE80]  }
0x34f: {  	v4 =	vmul.f32 v63, v4;
	v63 =	vld [tilespmem:$0x1FEA0]  }
0x350: {  	v32 =	vsel vm0, v32, v43;
	v50 =	vadd.s32 $0x210, v56;
	v13 =	vmul.f32 v13, v23;
	v43 =	vld.idx.msk [tilespmem:v0+s17+$0x0], $0xffff  }
0x351: {  	v49 =	vadd.s32 $0xA50, v56;
	vm12 =	vlt.s32 v60, v16;
	v0 =	vld [tilespmem:$0x1FE90]  }
0x352: {  	[tilespmem:s1+$0xFFFFFF80] =	vst v58;
	v14 =	vmul.f32 v55, v14;
	v12 =	vadd.f32 v13, v12;
	vm0 =	vmand vm14, vm12;
	v13 =	vld.idx.msk [tilespmem:v53+s17+$0x0], $0xffff  }
0x353: {  	[tilespmem:s1+$0xFFFFFFB0] =	vst v18;
	v55 =	vadd.s32 $0x630, v17;
	vm0 =	vmor vm7, vm0;
	v44 =	vmul.f32 v51, v44;
	v51 =	vld.idx.msk [tilespmem:v61+s17+$0x0], $0xffff  }
0x354: {  	[tilespmem:s0+$0xFFFFFFB0] =	vst v26;
	vm5 =	vlt.s32 v46, v48;
	v53 =	vadd.s32 $0xA50, v19;
	vm15 =	vlt.f32 v1, v7;
	v1 =	vld.idx.msk [tilespmem:v56+s17+$0x0], $0xffff  }
0x355: {  	v50 =	vld.idx.msk [tilespmem:v50+s17+$0x0], $0xffff;
	[tilespmem:s1+$0xFFFFFFD0] =	vst v4;
	v26 =	vsel vm0, v37, v34;
	vm1 =	vmand vm13, vm5;
	v16 =	vsel vm0, v60, v16  }
0x356: {  	v8 =	vld [tilespmem:$0x1FEC0];
	v58 =	vsel vm15, $0x1, v10;
	v61 =	vadd.s32 $0x630, v56;
	v56 =	vadd.s32 $0xE70, v56;
	[tilespmem:s0+$0xFFFFFF80] =	vst v0;
	v0 =	vpop (erf)  }
0x357: {  	v49 =	vld.idx.msk [tilespmem:v49+s17+$0x0], $0xffff;
	vm7 =	vmor vm6, vm1;
	vm4 =	vlt.f32 v28, v9;
	v3 =	vadd.s32 v58, v3;
	[tilespmem:s1+$0xFFFFFFE0] =	vst v44;
	v23 =	vpop (erf)  }
0x358: {  	v58 =	vmul.f32 v62, v47;
	v28 =	vsel vm4, $0x1, v10;
	v10 =	vld.idx.msk [tilespmem:v55+s17+$0x0], $0xffff;
	[tilespmem:s31+$0xFFFFFF80] =	vst v63;
	v51 =	vmul.f32 v51, v23  }
0x359: {  	v62 =	vadd.s32 $0x630, v19;
	v4 =	vld.idx.msk [tilespmem:v53+s17+$0x0], $0xffff;
	v63 =	vadd.f32 v7, v7;
	v60 =	vsub.f32 v15, v1;
	[tilespmem:s0+$0xFFFFFFE0] =	vst v40  }
0x35a: {  	v37 =	vadd.s32 $0x420, v3;
	v15 =	vsub.f32 v50, v15;
	[tilespmem:s31+$0xFFFFFFE0] =	vst v2;
	v2 =	vld [tilespmem:$0x1FEE0];
	v43 =	vadd.f32 v51, v43  }
0x35b: {  	v28 =	vadd.s32 v28, v36;
	v36 =	vadd.s32 $0xC60, v17;
	v35 =	vld.idx.msk [tilespmem:v56+s17+$0x0], $0xffff;
	v56 =	vmul.f32 $1.442695020e+00, v63  }
0x35c: {  	[tilespmem:s31+$0xFFFFFFB0] =	vst v25;
	v57 =	vld.idx.msk [tilespmem:v61+s17+$0x0], $0xffff;
	v63 =	vadd.s32 $0x210, v28;
	vm8 =	vlt.f32 v60, v15;
	(erf) = vrcp.f32 v43  }
0x35d: {  	[tilespmem:s1+$0xFFFFFFC0] =	vst v31;
	vm9 =	veq.f32 v60, v15;
	v15 =	vld.idx.msk [tilespmem:v19+s17+$0x0], $0xffff;
	(erf) = vpow2.f32 v56;
	v56 =	vadd.s32 $0x840, v3  }
0x35e: {  	[tilespmem:s0+$0xFFFFFFC0] =	vst v30;
	v30 =	vsel vm7, v45, v33;
	v25 =	vadd.f32 v58, v59;
	v59 =	vadd.s32 $0x210, v27;
	v33 =	vld.idx.msk [tilespmem:v62+s17+$0x0], $0xffff  }
0x35f: {  	v61 =	vadd.s32 $0x210, v17;
	v37 =	vld.idx.msk [tilespmem:v37+s17+$0x0], $0xffff  }
0x360: {  	[tilespmem:s31+$0xFFFFFFC0] =	vst v29;
	v58 =	vadd.s32 $0xC60, v19;
	v36 =	vld.idx.msk [tilespmem:v36+s17+$0x0], $0xffff  }
0x361: {  	[tilespmem:s1+$0xFFFFFFF0] =	vst v14;
	v62 =	vadd.s32 $0x630, v27;
	v43 =	vld.idx.msk [tilespmem:v63+s17+$0x0], $0xffff  }
0x362: {  	v12 =	vmul.f32 v20, v12;
	[tilespmem:s0+$0xFFFFFFF0] =	vst v24;
	v51 =	vadd.s32 $0xA50, v17;
	v63 =	vld.idx.msk [tilespmem:v56+s17+$0x0], $0xffff  }
0x363: {  	[tilespmem:s31+$0xFFFFFFF0] =	vst v32;
	v29 =	vsel vm7, v46, v48;
	v47 =	vimm.s32 $0x0;
	v17 =	vadd.s32 $0xE70, v17;
	v32 =	vld.idx.msk [tilespmem:v59+s17+$0x0], $0xffff  }
0x364: {  	[tilespmem:s31+$0xFFFFFF90] =	vst v8;
	v55 =	vsub.f32 v21, v38;
	v48 =	vmul.f32 v49, v54;
	v49 =	vadd.s32 $0xC60, v27;
	v20 =	vld.idx.msk [tilespmem:v61+s17+$0x0], $0xffff  }
0x365: {  	[tilespmem:s0+$0xFFFFFFD0] =	vst v41;
	v59 =	vadd.s32 $0xA50, v3;
	v2 =	vmul.f32 v2, v25;
	v25 =	vld.idx.msk [tilespmem:v58+s17+$0x0], $0xffff;
	v61 =	vadd.s32 $0x210, v19;
	v31 =	vpop (erf)  }
0x366: {  	v4 =	vmul.f32 v4, v11;
	vm10 =	vlt.s32 v13, v35;
	v14 =	vadd.f32 v48, v57;
	v8 =	vld.idx.msk [tilespmem:v62+s17+$0x0], $0xffff;
	v41 =	vpop (erf)  }
0x367: {  	v19 =	vadd.s32 $0xE70, v19;
	vm11 =	vmand vm9, vm10;
	[tilespmem:s1+$0x10] =	vst v2;
	v34 =	vld.idx.msk [tilespmem:v51+s17+$0x0], $0xffff;
	v60 =	vmul.f32 v63, v41  }
0x368: {  	v17 =	vld.idx.msk [tilespmem:v17+s17+$0x0], $0xffff;
	vm1 =	vmor vm8, vm11;
	v14 =	vmul.f32 v52, v14;
	[tilespmem:s0+$0x10] =	vst v30;
	v63 =	vadd.f32 v9, v9  }
0x369: {  	v30 =	vld.idx.msk [tilespmem:v3+s17+$0x0], $0xffff;
	v56 =	vsub.f32 v20, v21;
	vm13 =	vlt.f32 v43, v9;
	v37 =	vadd.f32 v60, v37  }
0x36a: {  	[tilespmem:s31+$0xFFFFFFD0] =	vst v6;
	v6 =	vld.idx.msk [tilespmem:v61+s17+$0x0], $0xffff;
	v21 =	vadd.s32 $0xA50, v27;
	v61 =	vsel vm13, $0x1, v47;
	v40 =	vmul.f32 $1.442695020e+00, v63  }
0x36b: {  	v24 =	vadd.s32 v61, v28;
	v28 =	vld.idx.msk [tilespmem:v27+s17+$0x0], $0xffff;
	v27 =	vadd.s32 $0xE70, v27;
	(erf) = vrcp.f32 v37  }
0x36c: {  	[tilespmem:s1+$0x0] =	vst v12;
	v1 =	vsel vm1, v1, v50;
	v18 =	vld.idx.msk [tilespmem:v19+s17+$0x0], $0xffff;
	v51 =	vadd.s32 $0x840, v24;
	(erf) = vpow2.f32 v40  }
0x36d: {  	[tilespmem:s1+$0x20] =	vst v14;
	v19 =	vld.idx.msk [tilespmem:v49+s17+$0x0], $0xffff;
	vm12 =	vlt.f32 v55, v56;
	vm14 =	veq.f32 v55, v56;
	v56 =	vadd.s32 $0x210, v3  }
0x36e: {  	[tilespmem:s0+$0x20] =	vst v1;
	v1 =	vld.idx.msk [tilespmem:v59+s17+$0x0], $0xffff;
	v55 =	vadd.s32 $0x420, v24  }
0x36f: {  	[tilespmem:s0+$0x0] =	vst v26;
	v57 =	vadd.s32 $0x630, v3;
	v4 =	vadd.f32 v4, v33;
	v54 =	vld.idx.msk [tilespmem:v21+s17+$0x0], $0xffff  }
0x370: {  	[tilespmem:s31+$0x0] =	vst v16;
	v2 =	vsub.f32 v42, v15;
	v61 =	vadd.s32 $0xC60, v3;
	v16 =	vld.idx.msk [tilespmem:v27+s17+$0x0], $0xffff  }
0x371: {  	v0 =	vmul.f32 v0, v4;
	v13 =	vsel vm1, v13, v35;
	v3 =	vadd.s32 $0xE70, v3;
	v60 =	vld.idx.msk [tilespmem:v51+s17+$0x0], $0xffff  }
0x372: {  	v53 =	vmul.f32 v34, v22;
	vm15 =	vlt.s32 v36, v17;
	v58 =	vsub.f32 v6, v42;
	v26 =	vld.idx.msk [tilespmem:v56+s17+$0x0], $0xffff  }
0x373: {  	vm1 =	vmand vm14, vm15;
	v44 =	vadd.s32 $0xA50, v24;
	v48 =	vadd.s32 $0x630, v24;
	v62 =	vld.idx.msk [tilespmem:v55+s17+$0x0], $0xffff  }
0x374: {  	[tilespmem:s31+$0x10] =	vst v29;
	v50 =	vadd.s32 $0xC60, v24;
	vm4 =	veq.f32 v2, v58;
	vm6 =	vlt.f32 v2, v58;
	v2 =	vld.idx.msk [tilespmem:v57+s17+$0x0], $0xffff;
	v63 =	vpop (erf)  }
0x375: {  	[tilespmem:s1+$0x40] =	vst v0;
	v52 =	vadd.s32 $0xE70, v24;
	v12 =	vadd.f32 v53, v10;
	vm0 =	vmor vm12, vm1;
	v46 =	vld.idx.msk [tilespmem:v61+s17+$0x0], $0xffff;
	v43 =	vpop (erf)  }
0x376: {  	v20 =	vsel vm0, v38, v20;
	v17 =	vsel vm0, v36, v17;
	v3 =	vld.idx.msk [tilespmem:v3+s17+$0x0], $0xffff;
	v45 =	vmul.f32 v60, v43  }
0x377: {  	[tilespmem:s31+$0x20] =	vst v13;
	vm5 =	vlt.s32 v25, v18;
	v42 =	vadd.s32 $0x210, v24;
	v12 =	vmul.f32 v39, v12;
	v51 =	vld.idx.msk [tilespmem:v24+s17+$0x0], $0xffff  }
0x378: {  	v1 =	vmul.f32 v1, v41;
	v55 =	vsub.f32 v7, v30;
	v56 =	vld.idx.msk [tilespmem:v44+s17+$0x0], $0xffff;
	v49 =	vadd.f32 v45, v62  }
0x379: {  	vm1 =	vmand vm4, vm5;
	[tilespmem:s1+$0x30] =	vst v12;
	v11 =	vld.idx.msk [tilespmem:v48+s17+$0x0], $0xffff;
	v40 =	vsub.f32 v5, v28;
	v5 =	vsub.f32 v32, v5  }
0x37a: {  	v0 =	vld.idx.msk [tilespmem:v50+s17+$0x0], $0xffff;
	vm1 =	vmor vm6, vm1;
	[tilespmem:s0+$0x30] =	vst v20;
	v54 =	vmul.f32 v54, v23;
	(erf) = vrcp.f32 v49  }
0x37b: {  	v6 =	vsel vm1, v15, v6;
	[tilespmem:s31+$0x30] =	vst v17;
	v53 =	vsel vm1, v25, v18;
	vm7 =	vlt.f32 v40, v5  }
0x37c: {  	v10 =	vld.idx.msk [tilespmem:v42+s17+$0x0], $0xffff;
	vm8 =	veq.f32 v40, v5;
	v7 =	vsub.f32 v26, v7;
	v8 =	vadd.f32 v54, v8  }
0x37d: {  	vm9 =	vlt.s32 v19, v16;
	v1 =	vadd.f32 v1, v2;
	v2 =	vld.idx.msk [tilespmem:v52+s17+$0x0], $0xffff;
	vm12 =	vlt.s32 v46, v3  }
0x37e: {  	[tilespmem:s0+$0x40] =	vst v6;
	vm1 =	vmand vm8, vm9;
	v61 =	vsub.f32 v9, v51;
	v57 =	vmul.f32 v31, v8  }
0x37f: {  	[tilespmem:s31+$0x40] =	vst v53;
	vm10 =	vlt.f32 v55, v7;
	vm11 =	veq.f32 v55, v7;
	vm0 =	vmor vm7, vm1  }
0x380: {  	v58 =	vsel vm0, v28, v32;
	v59 =	vsel vm0, v19, v16;
	[tilespmem:s1+$0x50] =	vst v57;
	v60 =	vmul.f32 v56, v43  }
0x381: {  	vm0 =	vmand vm11, vm12;
	[tilespmem:s0+$0x50] =	vst v58;
	v1 =	vmul.f32 v63, v1;
	v62 =	vsub.f32 v10, v9  }
0x382: {  	s30 =	sadd.s32 $0x10, s30;
	vm0 =	vmor vm10, vm0;
	vm14 =	vlt.s32 v0, v2;
	[tilespmem:s31+$0x50] =	vst v59;
	v4 =	vadd.f32 v60, v11  }
0x383: {  	p0 =	slt.u32 s30, $0x80;
	v63 =	vsel vm0, v30, v26;
	[tilespmem:s1+$0x60] =	vst v1;
	v1 =	vsel vm0, v46, v3;
	vm13 =	veq.f32 v61, v62;
	v3 =	vpop (erf)  }
.Ltmp1:
0x384: {  	[tilespmem:s0+$0x60] =	vst v63;
	vm15 =	vlt.f32 v61, v62;
	vm0 =	vmand vm13, vm14;
	v3 =	vmul.f32 v3, v4;
	(pc) =	sbr.rel @p0 .LBB2_4-.Ltmp1, $4  }
0x385: {  	[tilespmem:s31+$0x60] =	vst v1;
	vm0 =	vmor vm15, vm0  }
0x386: {  	v1 =	vsel vm0, v51, v10;
	[tilespmem:s1+$0x70] =	vst v3  }
0x387: {  	s16 =	sadd.s32 $0x100, s16;
	v0 =	vsel vm0, v0, v2;
	[tilespmem:s0+$0x70] =	vst v1  }
0x388: {  	s1 =	sadd.s32 $0x100, s1;
	s0 =	sadd.s32 $0x100, s0;
	[tilespmem:s31+$0x70] =	vst v0;
	v0 =	vimm.s32 $0x30F;
	s31 =	sadd.s32 $0x100, s31  }
0x389: {  	[hbm4b:s10+s19] =	stream.strided.scatter [tilespmem:s24], [sflag:$0x3], $0x900, s14, s19, $0x38;
	[tilespmem:$0x6900] =	vst v63  }
0x38a: {  	_ = 	snop  }
0x38b: {  	[hbm4b:s11+s19] =	stream.strided.scatter [tilespmem:s25], [sflag:$0x3], $0x900, s14, s19, $0x38;
	[tilespmem:$0x6900] =	vst v63  }
0x38c: {  	_ = 	snop  }
0x38d: {  	[hbm4b:s12+s19] =	stream.strided.scatter [tilespmem:s26], [sflag:$0x3], $0x900, s14, s19, $0x38;
	[tilespmem:$0x6900] =	vst v63  }
0x38e: {  	_ =	swait.ge [sflag:s28], $0x900  }
0x38f: {  	[sflag:s28] =	ssyncset.done $0x0  }
0x390: {  	[sflag:s28] =	ssyncadd.s32 $0xFFFFF700  }
0x391: {  	_ =	swait.ge [sflag:s28], $0x900  }
0x392: {  	[sflag:s28] =	ssyncset.done $0x0  }
0x393: {  	[sflag:s28] =	ssyncadd.s32 $0xFFFFF700  }
0x394: {  	_ =	swait.ge [sflag:s28], $0x900  }
0x395: {  	[sflag:s28] =	ssyncset.done $0x0  }
0x396: {  	[sflag:s28] =	ssyncadd.s32 $0xFFFFF700  }
0x397: {  	_ =	swait.ge [sflag:s28], $0x900  }
0x398: {  	[sflag:s28] =	ssyncset.done $0x0  }
0x399: {  	s29 =	sadd.s32 $0x1, s29;
	[sflag:s28] =	ssyncadd.s32 $0xFFFFF700  }
0x39a: {  	p0 =	sne.s32 s29, s13;
	_ =	swait.ge [sflag:s28], $0x900  }
.Ltmp2:
0x39b: {  	[sflag:s28] =	ssyncset.done $0x0;
	(pc) =	sbr.rel @p0 .LBB2_1-.Ltmp2, $4  }
0x39c: {  	[sflag:s28] =	ssyncadd.s32 $0xFFFFF700  }
0x39d: {  	_ =	swait.ge [sflag:s28], $0x900  }
0x39e: {  	[sflag:s28] =	ssyncset.done $0x0  }
0x39f: {  	[sflag:s28] =	ssyncadd.s32 $0xFFFFF700  }
0x3a0: {  	_ =	sfence.sel $0x180000  }
0x3a1: {  	[bflag:$0x0] =	sbarrier.arrive $0xFFFF  }
0x3a2: {  	_ =	strace $0x90000047  }
0x3a3: {  	s0 =	stileid.u32;
	[bflag:$0x2] =	sbarrier.arrive $0xFFFF  }
0x3a4: {  	p0 =	sne.s32 s0, $0x0;
	s0 =	rddreg [dreg:$0x3]  }
0x3a5: {  	s0 =	sadd.s32 @!p0 $0x100000, s0  }
0x3a6: {  	[sflag:s0] =	ssyncadd.tile.s32 @!p0 $0x1;
	_ =	shalt  }
.Lfunc_end2:
_tile_overlayer_lowered:
.L_overlay_start_2:
0x3a7: {  	(tag) =	ssettag $0x2  }
0x3a8: {  	s0 =	rddreg [dreg:$0x0];
	s2 =	stileid.u32  }
0x3a9: {  	s1 =	rddreg [dreg:$0x1];
	p0 =	sne.s32 s2, $0x0  }
0x3aa: {  	s3 =	rddreg [dreg:$0x2];
	[bflag:$0x3] =	sbarrier.arrive $0xFFFF;
	s2 =	simm.s32 @!p0 $0x1C04  }
0x3ab: {  	[timem:s3], [sflag:s2] =	dma.local @!p0 [hbm:s0], s1  }
0x3ac: {  	s0 =	simm.s32 @!p0 $0x4  }
0x3ad: {  	_ =	swait.ge @!p0 [sflag:s0], s1  }
0x3ae: {  	s1 =	ssub.s32 @!p0 $0x0, s1;
	[sflag:s0] =	ssyncset.done @!p0 $0x0  }
0x3af: {  	[sflag:s0] =	ssyncadd.s32 @!p0 s1  }
0x3b0: {  	[bflag:$0x3] =	sbarrier.arrive $0xFFFF  }
0x3b1: {  	_ =	shalt  }

</sc_bundles>
